<compile_context>
chip_gen: v7x
topology: tpu7x:2x2x1
jax: 0.10.2.dev20260603
libtpu: 0.0.44.dev20260713+nightly
codegen_flags: <defaults>
</compile_context>

<pallas_src>
import functools

import jax
import jax.numpy as jnp
from jax import lax
from jax.experimental import pallas as pl
from jax.experimental.pallas import tpu as pltpu
from jax.experimental.pallas import tpu_sc as plsc

ALPHA = 0.8
_NC = 2
_NS = 16
_NW = _NC * _NS

_CLS_CHUNKS = ((0, 6784), (6784, 6784), (13568, 6400))
_BOX_CHUNKS = ((0, 10112), (10112, 9856))
_CLS_W = 6784
_BOX_W = 10112
_TAIL = 19968


def _safe_pow(x, p):
    safe = jnp.where(x > 0, x, 1.0)
    return jnp.where(x > 0, jnp.exp(p * jnp.log(safe)), 0.0)


def _compute_body(cls3_ref, box2_ref, ctail_ref, btail_ref, idx_ref,
                  gt_ref, lab_ref, out_ref):
    n_tail = ctail_ref.shape[1]
    n_pos = idx_ref.shape[1]
    tail_slots = lax.broadcasted_iota(jnp.int32, (n_tail, n_pos), 0) + _TAIL
    tail_oh = (tail_slots == idx_ref[...]).astype(jnp.float32)
    cls_raw = (cls3_ref[0] + cls3_ref[1] + cls3_ref[2]
               + jnp.dot(ctail_ref[...], tail_oh,
                         preferred_element_type=jnp.float32,
                         precision=lax.Precision.HIGHEST))
    box_raw = (box2_ref[0][0:4, :] + box2_ref[1][0:4, :]
               + jnp.dot(btail_ref[...], tail_oh,
                         preferred_element_type=jnp.float32,
                         precision=lax.Precision.HIGHEST))
    sig = jax.nn.sigmoid(cls_raw)
    n_cls = cls_raw.shape[0]
    n_gt = lab_ref.shape[0]
    classes = lax.broadcasted_iota(jnp.int32, (n_gt, n_cls), 1)
    onehot = (classes == lab_ref[...]).astype(jnp.float32)
    cls_cost = jnp.dot(onehot, sig, preferred_element_type=jnp.float32,
                       precision=lax.Precision.HIGHEST)

    px1 = box_raw[0:1, :]
    py1 = box_raw[1:2, :]
    px2 = box_raw[2:3, :]
    py2 = box_raw[3:4, :]
    gx1 = gt_ref[:, 0:1]
    gy1 = gt_ref[:, 1:2]
    gx2 = gt_ref[:, 2:3]
    gy2 = gt_ref[:, 3:4]
    area_p = (px2 - px1) * (py2 - py1)
    area_g = (gx2 - gx1) * (gy2 - gy1)
    iw = jnp.clip(jnp.minimum(px2, gx2) - jnp.maximum(px1, gx1), 0.0)
    ih = jnp.clip(jnp.minimum(py2, gy2) - jnp.maximum(py1, gy1), 0.0)
    inter = iw * ih
    union = area_p + area_g - inter
    iou = inter / jnp.maximum(union, 1e-6)

    ov = _safe_pow(cls_cost, 1.0 - ALPHA) * _safe_pow(iou, ALPHA)
    q = jnp.max(ov, axis=0, keepdims=True)
    out_ref[...] = jnp.where(q < 0.0, 0.0, q)


def _make_gather(n_pos, n_cls):
    mesh = plsc.VectorSubcoreMesh(core_axis_name="c", subcore_axis_name="s")
    n_grp = n_cls // 8
    n_cchunk = len(_CLS_CHUNKS)
    n_cls_workers = n_grp * n_cchunk

    @functools.partial(
        pl.kernel,
        out_type=[
            jax.ShapeDtypeStruct((n_cchunk, n_cls, n_pos), jnp.float32),
            jax.ShapeDtypeStruct((len(_BOX_CHUNKS), 8, n_pos), jnp.float32),
        ],
        mesh=mesh,
        scratch_types=[
            pltpu.VMEM((8, _CLS_W), jnp.float32),
            pltpu.VMEM((4, _BOX_W), jnp.float32),
            pltpu.VMEM((n_pos,), jnp.int32),
            pltpu.VMEM((8, n_pos), jnp.float32),
        ],
        compiler_params=pltpu.CompilerParams(needs_layout_passes=False),
    )
    def gather_k(cls_hbm, box_hbm, idx_hbm, cls_out, box_out,
                 cstage_v, bstage_v, idx_v, vals_v):
        wid = lax.axis_index("s") * _NC + lax.axis_index("c")
        pltpu.sync_copy(idx_hbm, idx_v)
        is_cls = wid < n_cls_workers
        rvecs = [jnp.full((16,), r, jnp.int32) for r in range(8)]
        zero = jnp.zeros((16,), jnp.float32)

        def gather_loop(stage, off, width, n_rows):
            def body(j, _):
                iv = idx_v[pl.ds(j * 16, 16)]
                loc = iv - off
                m = (loc >= 0) & (loc < width)
                locc = jnp.where(m, loc, 0)
                for r in range(n_rows):
                    v = plsc.load_gather(stage, [rvecs[r], locc])
                    vals_v[r, pl.ds(j * 16, 16)] = jnp.where(m, v, zero)
                return 0

            lax.fori_loop(0, n_pos // 16, body, 0, unroll=2)

        @pl.when(is_cls)
        def _():
            g = wid // n_cchunk
            k = wid % n_cchunk
            for kk, (off, width) in enumerate(_CLS_CHUNKS):
                @pl.when(k == kk)
                def _():
                    pltpu.sync_copy(
                        cls_hbm.at[pl.ds(g * 8, 8), pl.ds(off, width)],
                        cstage_v.at[:, pl.ds(0, width)])
            off_t = k * _CLS_CHUNKS[0][1]
            width_t = jnp.where(k == n_cchunk - 1,
                                _CLS_CHUNKS[-1][1], _CLS_CHUNKS[0][1])
            gather_loop(cstage_v, off_t, width_t, 8)
            pltpu.sync_copy(vals_v, cls_out.at[k, pl.ds(g * 8, 8)])

        @pl.when(jnp.logical_not(is_cls))
        def _():
            h = wid - n_cls_workers
            for hh, (off, width) in enumerate(_BOX_CHUNKS):
                @pl.when(h == hh)
                def _():
                    pltpu.sync_copy(
                        box_hbm.at[:, pl.ds(off, width)],
                        bstage_v.at[:, pl.ds(0, width)])
            off_t = h * _BOX_CHUNKS[0][1]
            width_t = jnp.where(h == len(_BOX_CHUNKS) - 1,
                                _BOX_CHUNKS[-1][1], _BOX_CHUNKS[0][1])
            gather_loop(bstage_v, off_t, width_t, 4)
            pltpu.sync_copy(vals_v, box_out.at[h])

    return gather_k


def _make_scatter(n_pos, n):
    granules = n // 8
    c_lo = (granules // _NW) * 8
    c_hi = c_lo + 8
    n_hi = granules % _NW
    buf = ((c_hi + 15) // 16) * 16
    mesh = plsc.VectorSubcoreMesh(core_axis_name="c", subcore_axis_name="s")

    @functools.partial(
        pl.kernel,
        out_type=jax.ShapeDtypeStruct((n,), jnp.float32),
        mesh=mesh,
        scratch_types=[
            pltpu.VMEM((buf,), jnp.float32),
            pltpu.VMEM((n_pos,), jnp.int32),
            pltpu.VMEM((n_pos,), jnp.float32),
        ],
        compiler_params=pltpu.CompilerParams(
            use_tc_tiling_on_sc=False, needs_layout_passes=False),
    )
    def scatter_k(idx_hbm, q_hbm, out_hbm, chunk_v, idx_v, q_v):
        wid = lax.axis_index("s") * _NC + lax.axis_index("c")
        in_hi = wid < n_hi
        off = jnp.where(in_hi, wid * c_hi,
                        n_hi * c_hi + (wid - n_hi) * c_lo)
        size = jnp.where(in_hi, c_hi, c_lo)
        zeros16 = jnp.zeros((16,), jnp.float32)
        for j in range(buf // 16):
            chunk_v[pl.ds(j * 16, 16)] = zeros16
        pltpu.sync_copy(idx_hbm, idx_v)
        pltpu.sync_copy(q_hbm, q_v)
        for j in range(n_pos // 16):
            iv = idx_v[pl.ds(j * 16, 16)]
            qv = q_v[pl.ds(j * 16, 16)]
            m = (iv >= off) & (iv < off + size)
            loc = jnp.where(m, iv - off, 0)
            plsc.store_scatter(chunk_v, [loc], qv, mask=m)

        @pl.when(in_hi)
        def _():
            pltpu.sync_copy(chunk_v.at[pl.ds(0, c_hi)],
                            out_hbm.at[pl.ds(off, c_hi)])

        @pl.when(jnp.logical_not(in_hi))
        def _():
            pltpu.sync_copy(chunk_v.at[pl.ds(0, c_lo)],
                            out_hbm.at[pl.ds(off, c_lo)])

    return scatter_k


def kernel(bboxes, cls_scores, bbox_preds, gt_bboxes, bbox_levels,
           positive_inds, gt_labels):
    n = bboxes.shape[0]
    n_cls = cls_scores.shape[1]
    n_pos = positive_inds.shape[0]

    idx = positive_inds.astype(jnp.int32)
    cls_t = cls_scores.astype(jnp.float32).T
    box_t = bbox_preds.astype(jnp.float32).T

    cls3, box2 = _make_gather(n_pos, n_cls)(cls_t, box_t, idx)

    cls_tail = cls_t[:, _TAIL:]
    box_tail = box_t[:, _TAIL:]
    lab = gt_labels.astype(jnp.int32).reshape(-1, 1)
    q = pl.pallas_call(
        _compute_body,
        out_shape=jax.ShapeDtypeStruct((1, n_pos), jnp.float32),
    )(cls3, box2, cls_tail, box_tail, idx.reshape(1, -1),
      gt_bboxes.astype(jnp.float32), lab)

    return _make_scatter(n_pos, n)(idx, q.reshape(-1))

# --- scband reference (transcript-rebuilt; emitter-appended) ---
"""Pipeline reference for scband-pgwanchor-module-11811160064320 (READ-ONLY COPY).

The authoritative reference and input builder live on the scoring server;
editing this copy changes nothing except your own understanding.
"""

import jax, jax.numpy as jnp
import numpy as np

ALPHA = 0.8
LOW_BOUND = 0.0


def _make_boxes(key, n):
    k1, k2, k3, k4 = jax.random.split(key, 4)
    x1 = jax.random.uniform(k1, (n,), dtype=jnp.float32) * 1000.0
    y1 = jax.random.uniform(k2, (n,), dtype=jnp.float32) * 1000.0
    w = jax.random.uniform(k3, (n,), dtype=jnp.float32) * 100.0 + 1.0
    h = jax.random.uniform(k4, (n,), dtype=jnp.float32) * 100.0 + 1.0
    return jnp.stack([x1, y1, x1 + w, y1 + h], axis=1)


def setup_inputs(seed: int = 0) -> dict:
    key = jax.random.key(seed)
    ks = jax.random.split(key, 8)
    N, G, C = 20000, 100, 80
    bboxes = _make_boxes(ks[0], N)
    cls_scores = jax.random.normal(ks[1], (N, C), dtype=jnp.float32)
    bbox_preds = _make_boxes(ks[2], N)
    gt_bboxes = _make_boxes(ks[3], G)
    bbox_levels = jax.random.randint(ks[4], (N,), 0, 5, dtype=jnp.int64)
    positive_inds = jax.random.randint(ks[5], (512,), 0, N, dtype=jnp.int64)
    gt_labels = jax.random.randint(ks[6], (G,), 0, C, dtype=jnp.int64)
    return {
        "bboxes": bboxes,
        "cls_scores": cls_scores,
        "bbox_preds": bbox_preds,
        "gt_bboxes": gt_bboxes,
        "bbox_levels": bbox_levels,
        "positive_inds": positive_inds,
        "gt_labels": gt_labels,
    }


def _bbox_overlaps_iou(b1, b2):
    # pairwise IoU (BboxOverlaps2D, mode='iou'): b1 [N,4], b2 [G,4] -> [N,G]
    area1 = (b1[:, 2] - b1[:, 0]) * (b1[:, 3] - b1[:, 1])
    area2 = (b2[:, 2] - b2[:, 0]) * (b2[:, 3] - b2[:, 1])
    lt = jnp.maximum(b1[:, None, :2], b2[None, :, :2])
    rb = jnp.minimum(b1[:, None, 2:4], b2[None, :, 2:4])
    wh = jnp.clip(rb - lt, 0.0)
    inter = wh[..., 0] * wh[..., 1]
    union = area1[:, None] + area2[None, :] - inter
    return inter / jnp.maximum(union, 1e-6)


def _safe_pow(x, p):
    # x ** p with zero-safe gradient at x == 0 (value identical to x**p for x >= 0)
    safe = jnp.where(x > 0, x, 1.0)
    return jnp.where(x > 0, safe ** p, 0.0)


def reference(bboxes, cls_scores, bbox_preds, gt_bboxes, bbox_levels, positive_inds, gt_labels):
    bboxes = bboxes[:, :4]
    num_bboxes = bboxes.shape[0]
    # overlaps between predicted boxes and GT boxes
    overlaps = _bbox_overlaps_iou(bbox_preds, gt_bboxes)  # [N, G]
    # classification cost: sigmoid score at each GT's label, gathered per anchor
    cls_cost = jax.nn.sigmoid(cls_scores[:, gt_labels])  # [N, G]
    overlaps = _safe_pow(cls_cost, 1.0 - ALPHA) * _safe_pow(overlaps, ALPHA)
    quality_score = jnp.max(overlaps, axis=1)  # [N]
    pos = jnp.zeros((num_bboxes,), dtype=quality_score.dtype).at[positive_inds].set(1.0)
    # ignore_iof_thr = -1 -> ignore branch skipped; assigned_gt_inds stays 0
    quality_score = quality_score * pos
    quality_score = jnp.where(quality_score < LOW_BOUND, 0.0, quality_score)
    return quality_score

if __name__ == "__main__":
    import jax
    _d = setup_inputs()
    print(jax.jit(kernel)(*tuple(_d.values())))

</pallas_src>

<mosaic_0001>
#map = affine_map<(d0, d1) -> (0, 0)>
#map1 = affine_map<(d0, d1) -> (0)>
#map2 = affine_map<(d0, d1) -> (0, 0, 0)>
module attributes {stable_mosaic.version = 14 : i64} {
  func.func @gather_k(%arg0: i32, %arg1: i32, %arg2: memref<80x20000xf32, #tpu.memory_space<hbm>>, %arg3: memref<4x20000xf32, #tpu.memory_space<hbm>>, %arg4: memref<512xi32, #tpu.memory_space<hbm>>, %arg5: memref<3x80x512xf32, #tpu.memory_space<hbm>>, %arg6: memref<2x8x512xf32, #tpu.memory_space<hbm>>, %arg7: memref<8x6784xf32, #tpu.memory_space<vmem>>, %arg8: memref<4x10112xf32, #tpu.memory_space<vmem>>, %arg9: memref<512xi32, #tpu.memory_space<vmem>>, %arg10: memref<8x512xf32, #tpu.memory_space<vmem>>) attributes {dimension_semantics = [#tpu.dimension_semantics<core_parallel>, #tpu.dimension_semantics<subcore_parallel>], iteration_bounds = array<i64: 2, 16>, scalar_prefetch = 0 : i64, scratch_operands = 4 : i64, tpu.core_type = #tpu.core_type<sc_vector_subcore>, window_params = [{transform_indices = #map}, {transform_indices = #map}, {transform_indices = #map1}, {transform_indices = #map2}, {transform_indices = #map2}]} {
    %mul3A = arith.constant 2 : i32
    %mul3A_0 = arith.muli %arg1, %mul3A : i32
    %add3A = arith.addi %mul3A_0, %arg0 : i32
    "tpu.region"() ({
      %run_scoped3A = tpu.sem_alloc : memref<!tpu.dma_semaphore, #tpu.memory_space<semaphore_mem>>
      tpu.enqueue_dma source(%arg4 : memref<512xi32, #tpu.memory_space<hbm>>) target(%arg9 : memref<512xi32, #tpu.memory_space<vmem>>) target_semaphore(%run_scoped3A : memref<!tpu.dma_semaphore, #tpu.memory_space<semaphore_mem>>)
      tpu.wait_dma2 semaphore(%run_scoped3A : memref<!tpu.dma_semaphore, #tpu.memory_space<semaphore_mem>>) src(%arg4 : memref<512xi32, #tpu.memory_space<hbm>>) dst(%arg9 : memref<512xi32, #tpu.memory_space<vmem>>)
      tpu.yield
    }) : () -> ()
    %lt3A = arith.constant 30 : i32
    %lt3A_1 = arith.cmpi slt, %add3A, %lt3A : i32
    %broadcast_in_dim3A = arith.constant 0 : i32
    %broadcast_in_dim3A_2 = vector.broadcast %broadcast_in_dim3A : i32 to vector<16xi32>
    %broadcast_in_dim3A_3 = arith.constant 1 : i32
    %broadcast_in_dim3A_4 = vector.broadcast %broadcast_in_dim3A_3 : i32 to vector<16xi32>
    %broadcast_in_dim3A_5 = arith.constant 2 : i32
    %broadcast_in_dim3A_6 = vector.broadcast %broadcast_in_dim3A_5 : i32 to vector<16xi32>
    %broadcast_in_dim3A_7 = arith.constant 3 : i32
    %broadcast_in_dim3A_8 = vector.broadcast %broadcast_in_dim3A_7 : i32 to vector<16xi32>
    %broadcast_in_dim3A_9 = arith.constant 4 : i32
    %broadcast_in_dim3A_10 = vector.broadcast %broadcast_in_dim3A_9 : i32 to vector<16xi32>
    %broadcast_in_dim3A_11 = arith.constant 5 : i32
    %broadcast_in_dim3A_12 = vector.broadcast %broadcast_in_dim3A_11 : i32 to vector<16xi32>
    %broadcast_in_dim3A_13 = arith.constant 6 : i32
    %broadcast_in_dim3A_14 = vector.broadcast %broadcast_in_dim3A_13 : i32 to vector<16xi32>
    %broadcast_in_dim3A_15 = arith.constant 7 : i32
    %broadcast_in_dim3A_16 = vector.broadcast %broadcast_in_dim3A_15 : i32 to vector<16xi32>
    %broadcast_in_dim3A_17 = arith.constant 0.000000e+00 : f32
    %broadcast_in_dim3A_18 = vector.broadcast %broadcast_in_dim3A_17 : f32 to vector<16xf32>
    %convert_element_type3A = arith.extui %lt3A_1 : i1 to i32
    %cond3A = arith.constant 0 : i32
    %cond3A_19 = arith.cmpi ne, %convert_element_type3A, %cond3A : i32
    scf.if %cond3A_19 {
      %jit3A = arith.constant 3 : i32
      %div3A = arith.divsi %add3A, %jit3A : i32
      %sign3A = arith.constant 0 : i32
      %sign3A_24 = arith.cmpi sgt, %add3A, %sign3A : i32
      %sign3A_25 = arith.extui %sign3A_24 : i1 to i32
      %sign3A_26 = arith.constant 0 : i32
      %sign3A_27 = arith.cmpi slt, %add3A, %sign3A_26 : i32
      %sign3A_28 = arith.extui %sign3A_27 : i1 to i32
      %sign3A_29 = arith.subi %sign3A_25, %sign3A_28 : i32
      %sign3A_30 = arith.constant 0 : i32
      %sign3A_31 = arith.cmpi sgt, %jit3A, %sign3A_30 : i32
      %sign3A_32 = arith.extui %sign3A_31 : i1 to i32
      %sign3A_33 = arith.constant 0 : i32
      %sign3A_34 = arith.cmpi slt, %jit3A, %sign3A_33 : i32
      %sign3A_35 = arith.extui %sign3A_34 : i1 to i32
      %sign3A_36 = arith.subi %sign3A_32, %sign3A_35 : i32
      %ne3A = arith.cmpi ne, %sign3A_29, %sign3A_36 : i32
      %rem3A = arith.remsi %add3A, %jit3A : i32
      %ne3A_37 = arith.constant 0 : i32
      %ne3A_38 = arith.cmpi ne, %rem3A, %ne3A_37 : i32
      %and3A = arith.andi %ne3A, %ne3A_38 : i1
      %sub3A = arith.constant 1 : i32
      %sub3A_39 = arith.subi %div3A, %sub3A : i32
      %select_n3A = arith.select %and3A, %sub3A_39, %div3A : i32
      %jit3A_40 = arith.constant 3 : i32
      %eq3A = arith.constant 0 : i32
      %eq3A_41 = arith.cmpi eq, %jit3A_40, %eq3A : i32
      %jit3A_42 = arith.constant 1 : i32
      %select_n3A_43 = arith.select %eq3A_41, %jit3A_42, %jit3A_40 : i32
      %rem3A_44 = arith.remsi %add3A, %select_n3A_43 : i32
      %ne3A_45 = arith.constant 0 : i32
      %ne3A_46 = arith.cmpi ne, %rem3A_44, %ne3A_45 : i32
      %lt3A_47 = arith.constant 0 : i32
      %lt3A_48 = arith.cmpi slt, %rem3A_44, %lt3A_47 : i32
      %lt3A_49 = arith.constant 0 : i32
      %lt3A_50 = arith.cmpi slt, %select_n3A_43, %lt3A_49 : i32
      %ne3A_51 = arith.xori %lt3A_48, %lt3A_50 : i1
      %and3A_52 = arith.andi %ne3A_51, %ne3A_46 : i1
      %add3A_53 = arith.addi %rem3A_44, %select_n3A_43 : i32
      %select_n3A_54 = arith.select %and3A_52, %add3A_53, %rem3A_44 : i32
      %eq3A_55 = arith.constant 0 : i32
      %eq3A_56 = arith.cmpi eq, %select_n3A_54, %eq3A_55 : i32
      %convert_element_type3A_57 = arith.extui %eq3A_56 : i1 to i32
      %cond3A_58 = arith.constant 0 : i32
      %cond3A_59 = arith.cmpi ne, %convert_element_type3A_57, %cond3A_58 : i32
      scf.if %cond3A_59 {
        %mul3A_85 = arith.constant 8 : i32
        %mul3A_86 = arith.muli %select_n3A, %mul3A_85 : i32
        "tpu.region"() ({
          %run_scoped3A = tpu.sem_alloc : memref<!tpu.dma_semaphore, #tpu.memory_space<semaphore_mem>>
          %dma_start3A = arith.constant 0 : i32
          %dma_start3A_87 = arith.constant 0 : i32
          %dma_start3A_88 = tpu.memref_slice %arg7[%dma_start3A, %dma_start3A_87] : memref<8x6784xf32, #tpu.memory_space<vmem>> -> memref<8x6784xf32, #tpu.memory_space<vmem>>
          %dma_start3A_89 = arith.constant 0 : i32
          %dma_start3A_90 = tpu.memref_slice %arg2[%mul3A_86, %dma_start3A_89] : memref<80x20000xf32, #tpu.memory_space<hbm>> -> memref<8x6784xf32, #tpu.memory_space<hbm>>
          %dma_start3A_91 = arith.constant 0 : i32
          %dma_start3A_92 = arith.constant 0 : i32
          %dma_start3A_93 = tpu.memref_slice %arg7[%dma_start3A_91, %dma_start3A_92] : memref<8x6784xf32, #tpu.memory_space<vmem>> -> memref<8x6784xf32, #tpu.memory_space<vmem>>
          %dma_start3A_94 = arith.constant 0 : i32
          %dma_start3A_95 = tpu.memref_slice %arg2[%mul3A_86, %dma_start3A_94] : memref<80x20000xf32, #tpu.memory_space<hbm>> -> memref<8x6784xf32, #tpu.memory_space<hbm>>
          tpu.enqueue_dma source(%dma_start3A_95 : memref<8x6784xf32, #tpu.memory_space<hbm>>) target(%dma_start3A_93 : memref<8x6784xf32, #tpu.memory_space<vmem>>) target_semaphore(%run_scoped3A : memref<!tpu.dma_semaphore, #tpu.memory_space<semaphore_mem>>)
          %dma_wait3A = arith.constant 0 : i32
          %dma_wait3A_96 = arith.constant 0 : i32
          %dma_wait3A_97 = tpu.memref_slice %arg7[%dma_wait3A, %dma_wait3A_96] : memref<8x6784xf32, #tpu.memory_space<vmem>> -> memref<8x6784xf32, #tpu.memory_space<vmem>>
          %dma_wait3A_98 = arith.constant 0 : i32
          %dma_wait3A_99 = tpu.memref_slice %arg2[%mul3A_86, %dma_wait3A_98] : memref<80x20000xf32, #tpu.memory_space<hbm>> -> memref<8x6784xf32, #tpu.memory_space<hbm>>
          %dma_wait3A_100 = arith.constant 0 : i32
          %dma_wait3A_101 = arith.constant 0 : i32
          %dma_wait3A_102 = tpu.memref_slice %arg7[%dma_wait3A_100, %dma_wait3A_101] : memref<8x6784xf32, #tpu.memory_space<vmem>> -> memref<8x6784xf32, #tpu.memory_space<vmem>>
          %dma_wait3A_103 = arith.constant 0 : i32
          %dma_wait3A_104 = tpu.memref_slice %arg2[%mul3A_86, %dma_wait3A_103] : memref<80x20000xf32, #tpu.memory_space<hbm>> -> memref<8x6784xf32, #tpu.memory_space<hbm>>
          tpu.wait_dma2 semaphore(%run_scoped3A : memref<!tpu.dma_semaphore, #tpu.memory_space<semaphore_mem>>) src(%dma_wait3A_104 : memref<8x6784xf32, #tpu.memory_space<hbm>>) dst(%dma_wait3A_102 : memref<8x6784xf32, #tpu.memory_space<vmem>>)
          tpu.yield
        }) : () -> ()
      } else {
      }
      %eq3A_60 = arith.constant 1 : i32
      %eq3A_61 = arith.cmpi eq, %select_n3A_54, %eq3A_60 : i32
      %convert_element_type3A_62 = arith.extui %eq3A_61 : i1 to i32
      %cond3A_63 = arith.constant 0 : i32
      %cond3A_64 = arith.cmpi ne, %convert_element_type3A_62, %cond3A_63 : i32
      scf.if %cond3A_64 {
        %mul3A_85 = arith.constant 8 : i32
        %mul3A_86 = arith.muli %select_n3A, %mul3A_85 : i32
        "tpu.region"() ({
          %run_scoped3A = tpu.sem_alloc : memref<!tpu.dma_semaphore, #tpu.memory_space<semaphore_mem>>
          %dma_start3A = arith.constant 0 : i32
          %dma_start3A_87 = arith.constant 0 : i32
          %dma_start3A_88 = tpu.memref_slice %arg7[%dma_start3A, %dma_start3A_87] : memref<8x6784xf32, #tpu.memory_space<vmem>> -> memref<8x6784xf32, #tpu.memory_space<vmem>>
          %dma_start3A_89 = arith.constant 6784 : i32
          %dma_start3A_90 = tpu.memref_slice %arg2[%mul3A_86, %dma_start3A_89] : memref<80x20000xf32, #tpu.memory_space<hbm>> -> memref<8x6784xf32, #tpu.memory_space<hbm>>
          %dma_start3A_91 = arith.constant 0 : i32
          %dma_start3A_92 = arith.constant 0 : i32
          %dma_start3A_93 = tpu.memref_slice %arg7[%dma_start3A_91, %dma_start3A_92] : memref<8x6784xf32, #tpu.memory_space<vmem>> -> memref<8x6784xf32, #tpu.memory_space<vmem>>
          %dma_start3A_94 = arith.constant 6784 : i32
          %dma_start3A_95 = tpu.memref_slice %arg2[%mul3A_86, %dma_start3A_94] : memref<80x20000xf32, #tpu.memory_space<hbm>> -> memref<8x6784xf32, #tpu.memory_space<hbm>>
          tpu.enqueue_dma source(%dma_start3A_95 : memref<8x6784xf32, #tpu.memory_space<hbm>>) target(%dma_start3A_93 : memref<8x6784xf32, #tpu.memory_space<vmem>>) target_semaphore(%run_scoped3A : memref<!tpu.dma_semaphore, #tpu.memory_space<semaphore_mem>>)
          %dma_wait3A = arith.constant 0 : i32
          %dma_wait3A_96 = arith.constant 0 : i32
          %dma_wait3A_97 = tpu.memref_slice %arg7[%dma_wait3A, %dma_wait3A_96] : memref<8x6784xf32, #tpu.memory_space<vmem>> -> memref<8x6784xf32, #tpu.memory_space<vmem>>
          %dma_wait3A_98 = arith.constant 6784 : i32
          %dma_wait3A_99 = tpu.memref_slice %arg2[%mul3A_86, %dma_wait3A_98] : memref<80x20000xf32, #tpu.memory_space<hbm>> -> memref<8x6784xf32, #tpu.memory_space<hbm>>
          %dma_wait3A_100 = arith.constant 0 : i32
          %dma_wait3A_101 = arith.constant 0 : i32
          %dma_wait3A_102 = tpu.memref_slice %arg7[%dma_wait3A_100, %dma_wait3A_101] : memref<8x6784xf32, #tpu.memory_space<vmem>> -> memref<8x6784xf32, #tpu.memory_space<vmem>>
          %dma_wait3A_103 = arith.constant 6784 : i32
          %dma_wait3A_104 = tpu.memref_slice %arg2[%mul3A_86, %dma_wait3A_103] : memref<80x20000xf32, #tpu.memory_space<hbm>> -> memref<8x6784xf32, #tpu.memory_space<hbm>>
          tpu.wait_dma2 semaphore(%run_scoped3A : memref<!tpu.dma_semaphore, #tpu.memory_space<semaphore_mem>>) src(%dma_wait3A_104 : memref<8x6784xf32, #tpu.memory_space<hbm>>) dst(%dma_wait3A_102 : memref<8x6784xf32, #tpu.memory_space<vmem>>)
          tpu.yield
        }) : () -> ()
      } else {
      }
      %eq3A_65 = arith.constant 2 : i32
      %eq3A_66 = arith.cmpi eq, %select_n3A_54, %eq3A_65 : i32
      %convert_element_type3A_67 = arith.extui %eq3A_66 : i1 to i32
      %cond3A_68 = arith.constant 0 : i32
      %cond3A_69 = arith.cmpi ne, %convert_element_type3A_67, %cond3A_68 : i32
      scf.if %cond3A_69 {
        %mul3A_85 = arith.constant 8 : i32
        %mul3A_86 = arith.muli %select_n3A, %mul3A_85 : i32
        "tpu.region"() ({
          %run_scoped3A = tpu.sem_alloc : memref<!tpu.dma_semaphore, #tpu.memory_space<semaphore_mem>>
          %dma_start3A = arith.constant 0 : i32
          %dma_start3A_87 = arith.constant 0 : i32
          %dma_start3A_88 = tpu.memref_slice %arg7[%dma_start3A, %dma_start3A_87] : memref<8x6784xf32, #tpu.memory_space<vmem>> -> memref<8x6400xf32, #tpu.memory_space<vmem>>
          %dma_start3A_89 = arith.constant 13568 : i32
          %dma_start3A_90 = tpu.memref_slice %arg2[%mul3A_86, %dma_start3A_89] : memref<80x20000xf32, #tpu.memory_space<hbm>> -> memref<8x6400xf32, #tpu.memory_space<hbm>>
          %dma_start3A_91 = arith.constant 0 : i32
          %dma_start3A_92 = arith.constant 0 : i32
          %dma_start3A_93 = tpu.memref_slice %arg7[%dma_start3A_91, %dma_start3A_92] : memref<8x6784xf32, #tpu.memory_space<vmem>> -> memref<8x6400xf32, #tpu.memory_space<vmem>>
          %dma_start3A_94 = arith.constant 13568 : i32
          %dma_start3A_95 = tpu.memref_slice %arg2[%mul3A_86, %dma_start3A_94] : memref<80x20000xf32, #tpu.memory_space<hbm>> -> memref<8x6400xf32, #tpu.memory_space<hbm>>
          tpu.enqueue_dma source(%dma_start3A_95 : memref<8x6400xf32, #tpu.memory_space<hbm>>) target(%dma_start3A_93 : memref<8x6400xf32, #tpu.memory_space<vmem>>) target_semaphore(%run_scoped3A : memref<!tpu.dma_semaphore, #tpu.memory_space<semaphore_mem>>)
          %dma_wait3A = arith.constant 0 : i32
          %dma_wait3A_96 = arith.constant 0 : i32
          %dma_wait3A_97 = tpu.memref_slice %arg7[%dma_wait3A, %dma_wait3A_96] : memref<8x6784xf32, #tpu.memory_space<vmem>> -> memref<8x6400xf32, #tpu.memory_space<vmem>>
          %dma_wait3A_98 = arith.constant 13568 : i32
          %dma_wait3A_99 = tpu.memref_slice %arg2[%mul3A_86, %dma_wait3A_98] : memref<80x20000xf32, #tpu.memory_space<hbm>> -> memref<8x6400xf32, #tpu.memory_space<hbm>>
          %dma_wait3A_100 = arith.constant 0 : i32
          %dma_wait3A_101 = arith.constant 0 : i32
          %dma_wait3A_102 = tpu.memref_slice %arg7[%dma_wait3A_100, %dma_wait3A_101] : memref<8x6784xf32, #tpu.memory_space<vmem>> -> memref<8x6400xf32, #tpu.memory_space<vmem>>
          %dma_wait3A_103 = arith.constant 13568 : i32
          %dma_wait3A_104 = tpu.memref_slice %arg2[%mul3A_86, %dma_wait3A_103] : memref<80x20000xf32, #tpu.memory_space<hbm>> -> memref<8x6400xf32, #tpu.memory_space<hbm>>
          tpu.wait_dma2 semaphore(%run_scoped3A : memref<!tpu.dma_semaphore, #tpu.memory_space<semaphore_mem>>) src(%dma_wait3A_104 : memref<8x6400xf32, #tpu.memory_space<hbm>>) dst(%dma_wait3A_102 : memref<8x6400xf32, #tpu.memory_space<vmem>>)
          tpu.yield
        }) : () -> ()
      } else {
      }
      %mul3A_70 = arith.constant 6784 : i32
      %mul3A_71 = arith.muli %select_n3A_54, %mul3A_70 : i32
      %eq3A_72 = arith.constant 2 : i32
      %eq3A_73 = arith.cmpi eq, %select_n3A_54, %eq3A_72 : i32
      %jit3A_74 = arith.constant 6400 : i32
      %jit3A_75 = arith.constant 6784 : i32
      %select_n3A_76 = arith.select %eq3A_73, %jit3A_74, %jit3A_75 : i32
      %scan3A = arith.constant 0 : i32
      %scan3A_77 = arith.constant 0 : i32
      %scan3A_78 = arith.constant 32 : i32
      %scan3A_79 = arith.addi %scan3A_77, %scan3A_78 : i32
      %scan3A_80 = arith.constant 2 : i32
      %scan3A_81 = scf.for %scan3A_85 = %scan3A_77 to %scan3A_79 step %scan3A_80 iter_args(%scan3A_86 = %scan3A) -> (i32)  : i32 {
        %mul3A_87 = arith.constant 16 : i32
        %mul3A_88 = arith.muli %scan3A_85, %mul3A_87 : i32
        %get3A = arith.index_cast %mul3A_88 : i32 to index
        %get3A_89 = tpu.vector_load %arg9[%get3A] {strides = array<i32>} : memref<512xi32, #tpu.memory_space<vmem>>, vector<16xi32>,
        %sub3A_90 = vector.broadcast %mul3A_71 : i32 to vector<16xi32>
        %sub3A_91 = arith.subi %get3A_89, %sub3A_90 : vector<16xi32>
        %ge3A = arith.constant 0 : i32
        %ge3A_92 = vector.broadcast %ge3A : i32 to vector<16xi32>
        %ge3A_93 = arith.cmpi sge, %sub3A_91, %ge3A_92 : vector<16xi32>
        %lt3A_94 = vector.broadcast %select_n3A_76 : i32 to vector<16xi32>
        %lt3A_95 = arith.cmpi slt, %sub3A_91, %lt3A_94 : vector<16xi32>
        %and3A_96 = arith.andi %ge3A_93, %lt3A_95 : vector<16xi1>
        %jit3A_97 = arith.constant 0 : i32
        %broadcast_in_dim3A_98 = vector.broadcast %jit3A_97 : i32 to vector<16xi32>
        %select_n3A_99 = arith.select %and3A_96, %sub3A_91, %broadcast_in_dim3A_98 : vector<16xi1>, vector<16xi32>
        %gather3A = tpu.vector_load_idx %arg7[%broadcast_in_dim3A_2, %select_n3A_99] : memref<8x6784xf32, #tpu.memory_space<vmem>>[vector<16xi32>, vector<16xi32>], vector<16xf32>,
        %select_n3A_100 = arith.select %and3A_96, %gather3A, %broadcast_in_dim3A_18 : vector<16xi1>, vector<16xf32>
        %mul3A_101 = arith.constant 16 : i32
        %mul3A_102 = arith.muli %scan3A_85, %mul3A_101 : i32
        %swap3A = arith.constant 0 : i32
        %swap3A_103 = arith.index_cast %swap3A : i32 to index
        %swap3A_104 = arith.index_cast %mul3A_102 : i32 to index
        %swap3A_105 = tpu.vector_load %arg10[%swap3A_103, %swap3A_104] {strides = array<i32>} : memref<8x512xf32, #tpu.memory_space<vmem>>, vector<16xf32>,
        tpu.vector_store %arg10[%swap3A_103, %swap3A_104], %select_n3A_100 {strides = array<i32>} : memref<8x512xf32, #tpu.memory_space<vmem>>, vector<16xf32>,
        %gather3A_106 = tpu.vector_load_idx %arg7[%broadcast_in_dim3A_4, %select_n3A_99] : memref<8x6784xf32, #tpu.memory_space<vmem>>[vector<16xi32>, vector<16xi32>], vector<16xf32>,
        %select_n3A_107 = arith.select %and3A_96, %gather3A_106, %broadcast_in_dim3A_18 : vector<16xi1>, vector<16xf32>
        %mul3A_108 = arith.constant 16 : i32
        %mul3A_109 = arith.muli %scan3A_85, %mul3A_108 : i32
        %swap3A_110 = arith.constant 1 : i32
        %swap3A_111 = arith.index_cast %swap3A_110 : i32 to index
        %swap3A_112 = arith.index_cast %mul3A_109 : i32 to index
        %swap3A_113 = tpu.vector_load %arg10[%swap3A_111, %swap3A_112] {strides = array<i32>} : memref<8x512xf32, #tpu.memory_space<vmem>>, vector<16xf32>,
        tpu.vector_store %arg10[%swap3A_111, %swap3A_112], %select_n3A_107 {strides = array<i32>} : memref<8x512xf32, #tpu.memory_space<vmem>>, vector<16xf32>,
        %gather3A_114 = tpu.vector_load_idx %arg7[%broadcast_in_dim3A_6, %select_n3A_99] : memref<8x6784xf32, #tpu.memory_space<vmem>>[vector<16xi32>, vector<16xi32>], vector<16xf32>,
        %select_n3A_115 = arith.select %and3A_96, %gather3A_114, %broadcast_in_dim3A_18 : vector<16xi1>, vector<16xf32>
        %mul3A_116 = arith.constant 16 : i32
        %mul3A_117 = arith.muli %scan3A_85, %mul3A_116 : i32
        %swap3A_118 = arith.constant 2 : i32
        %swap3A_119 = arith.index_cast %swap3A_118 : i32 to index
        %swap3A_120 = arith.index_cast %mul3A_117 : i32 to index
        %swap3A_121 = tpu.vector_load %arg10[%swap3A_119, %swap3A_120] {strides = array<i32>} : memref<8x512xf32, #tpu.memory_space<vmem>>, vector<16xf32>,
        tpu.vector_store %arg10[%swap3A_119, %swap3A_120], %select_n3A_115 {strides = array<i32>} : memref<8x512xf32, #tpu.memory_space<vmem>>, vector<16xf32>,
        %gather3A_122 = tpu.vector_load_idx %arg7[%broadcast_in_dim3A_8, %select_n3A_99] : memref<8x6784xf32, #tpu.memory_space<vmem>>[vector<16xi32>, vector<16xi32>], vector<16xf32>,
        %select_n3A_123 = arith.select %and3A_96, %gather3A_122, %broadcast_in_dim3A_18 : vector<16xi1>, vector<16xf32>
        %mul3A_124 = arith.constant 16 : i32
        %mul3A_125 = arith.muli %scan3A_85, %mul3A_124 : i32
        %swap3A_126 = arith.constant 3 : i32
        %swap3A_127 = arith.index_cast %swap3A_126 : i32 to index
        %swap3A_128 = arith.index_cast %mul3A_125 : i32 to index
        %swap3A_129 = tpu.vector_load %arg10[%swap3A_127, %swap3A_128] {strides = array<i32>} : memref<8x512xf32, #tpu.memory_space<vmem>>, vector<16xf32>,
        tpu.vector_store %arg10[%swap3A_127, %swap3A_128], %select_n3A_123 {strides = array<i32>} : memref<8x512xf32, #tpu.memory_space<vmem>>, vector<16xf32>,
        %gather3A_130 = tpu.vector_load_idx %arg7[%broadcast_in_dim3A_10, %select_n3A_99] : memref<8x6784xf32, #tpu.memory_space<vmem>>[vector<16xi32>, vector<16xi32>], vector<16xf32>,
        %select_n3A_131 = arith.select %and3A_96, %gather3A_130, %broadcast_in_dim3A_18 : vector<16xi1>, vector<16xf32>
        %mul3A_132 = arith.constant 16 : i32
        %mul3A_133 = arith.muli %scan3A_85, %mul3A_132 : i32
        %swap3A_134 = arith.constant 4 : i32
        %swap3A_135 = arith.index_cast %swap3A_134 : i32 to index
        %swap3A_136 = arith.index_cast %mul3A_133 : i32 to index
        %swap3A_137 = tpu.vector_load %arg10[%swap3A_135, %swap3A_136] {strides = array<i32>} : memref<8x512xf32, #tpu.memory_space<vmem>>, vector<16xf32>,
        tpu.vector_store %arg10[%swap3A_135, %swap3A_136], %select_n3A_131 {strides = array<i32>} : memref<8x512xf32, #tpu.memory_space<vmem>>, vector<16xf32>,
        %gather3A_138 = tpu.vector_load_idx %arg7[%broadcast_in_dim3A_12, %select_n3A_99] : memref<8x6784xf32, #tpu.memory_space<vmem>>[vector<16xi32>, vector<16xi32>], vector<16xf32>,
        %select_n3A_139 = arith.select %and3A_96, %gather3A_138, %broadcast_in_dim3A_18 : vector<16xi1>, vector<16xf32>
        %mul3A_140 = arith.constant 16 : i32
        %mul3A_141 = arith.muli %scan3A_85, %mul3A_140 : i32
        %swap3A_142 = arith.constant 5 : i32
        %swap3A_143 = arith.index_cast %swap3A_142 : i32 to index
        %swap3A_144 = arith.index_cast %mul3A_141 : i32 to index
        %swap3A_145 = tpu.vector_load %arg10[%swap3A_143, %swap3A_144] {strides = array<i32>} : memref<8x512xf32, #tpu.memory_space<vmem>>, vector<16xf32>,
        tpu.vector_store %arg10[%swap3A_143, %swap3A_144], %select_n3A_139 {strides = array<i32>} : memref<8x512xf32, #tpu.memory_space<vmem>>, vector<16xf32>,
        %gather3A_146 = tpu.vector_load_idx %arg7[%broadcast_in_dim3A_14, %select_n3A_99] : memref<8x6784xf32, #tpu.memory_space<vmem>>[vector<16xi32>, vector<16xi32>], vector<16xf32>,
        %select_n3A_147 = arith.select %and3A_96, %gather3A_146, %broadcast_in_dim3A_18 : vector<16xi1>, vector<16xf32>
        %mul3A_148 = arith.constant 16 : i32
        %mul3A_149 = arith.muli %scan3A_85, %mul3A_148 : i32
        %swap3A_150 = arith.constant 6 : i32
        %swap3A_151 = arith.index_cast %swap3A_150 : i32 to index
        %swap3A_152 = arith.index_cast %mul3A_149 : i32 to index
        %swap3A_153 = tpu.vector_load %arg10[%swap3A_151, %swap3A_152] {strides = array<i32>} : memref<8x512xf32, #tpu.memory_space<vmem>>, vector<16xf32>,
        tpu.vector_store %arg10[%swap3A_151, %swap3A_152], %select_n3A_147 {strides = array<i32>} : memref<8x512xf32, #tpu.memory_space<vmem>>, vector<16xf32>,
        %gather3A_154 = tpu.vector_load_idx %arg7[%broadcast_in_dim3A_16, %select_n3A_99] : memref<8x6784xf32, #tpu.memory_space<vmem>>[vector<16xi32>, vector<16xi32>], vector<16xf32>,
        %select_n3A_155 = arith.select %and3A_96, %gather3A_154, %broadcast_in_dim3A_18 : vector<16xi1>, vector<16xf32>
        %mul3A_156 = arith.constant 16 : i32
        %mul3A_157 = arith.muli %scan3A_85, %mul3A_156 : i32
        %swap3A_158 = arith.constant 7 : i32
        %swap3A_159 = arith.index_cast %swap3A_158 : i32 to index
        %swap3A_160 = arith.index_cast %mul3A_157 : i32 to index
        %swap3A_161 = tpu.vector_load %arg10[%swap3A_159, %swap3A_160] {strides = array<i32>} : memref<8x512xf32, #tpu.memory_space<vmem>>, vector<16xf32>,
        tpu.vector_store %arg10[%swap3A_159, %swap3A_160], %select_n3A_155 {strides = array<i32>} : memref<8x512xf32, #tpu.memory_space<vmem>>, vector<16xf32>,
        %scan3A_162 = arith.constant 0 : i32
        %scan3A_163 = arith.constant 1 : i32
        %scan3A_164 = arith.addi %scan3A_85, %scan3A_163 : i32
        %mul3A_165 = arith.constant 16 : i32
        %mul3A_166 = arith.muli %scan3A_164, %mul3A_165 : i32
        %get3A_167 = arith.index_cast %mul3A_166 : i32 to index
        %get3A_168 = tpu.vector_load %arg9[%get3A_167] {strides = array<i32>} : memref<512xi32, #tpu.memory_space<vmem>>, vector<16xi32>,
        %sub3A_169 = vector.broadcast %mul3A_71 : i32 to vector<16xi32>
        %sub3A_170 = arith.subi %get3A_168, %sub3A_169 : vector<16xi32>
        %ge3A_171 = arith.constant 0 : i32
        %ge3A_172 = vector.broadcast %ge3A_171 : i32 to vector<16xi32>
        %ge3A_173 = arith.cmpi sge, %sub3A_170, %ge3A_172 : vector<16xi32>
        %lt3A_174 = vector.broadcast %select_n3A_76 : i32 to vector<16xi32>
        %lt3A_175 = arith.cmpi slt, %sub3A_170, %lt3A_174 : vector<16xi32>
        %and3A_176 = arith.andi %ge3A_173, %lt3A_175 : vector<16xi1>
        %jit3A_177 = arith.constant 0 : i32
        %broadcast_in_dim3A_178 = vector.broadcast %jit3A_177 : i32 to vector<16xi32>
        %select_n3A_179 = arith.select %and3A_176, %sub3A_170, %broadcast_in_dim3A_178 : vector<16xi1>, vector<16xi32>
        %gather3A_180 = tpu.vector_load_idx %arg7[%broadcast_in_dim3A_2, %select_n3A_179] : memref<8x6784xf32, #tpu.memory_space<vmem>>[vector<16xi32>, vector<16xi32>], vector<16xf32>,
        %select_n3A_181 = arith.select %and3A_176, %gather3A_180, %broadcast_in_dim3A_18 : vector<16xi1>, vector<16xf32>
        %mul3A_182 = arith.constant 16 : i32
        %mul3A_183 = arith.muli %scan3A_164, %mul3A_182 : i32
        %swap3A_184 = arith.constant 0 : i32
        %swap3A_185 = arith.index_cast %swap3A_184 : i32 to index
        %swap3A_186 = arith.index_cast %mul3A_183 : i32 to index
        %swap3A_187 = tpu.vector_load %arg10[%swap3A_185, %swap3A_186] {strides = array<i32>} : memref<8x512xf32, #tpu.memory_space<vmem>>, vector<16xf32>,
        tpu.vector_store %arg10[%swap3A_185, %swap3A_186], %select_n3A_181 {strides = array<i32>} : memref<8x512xf32, #tpu.memory_space<vmem>>, vector<16xf32>,
        %gather3A_188 = tpu.vector_load_idx %arg7[%broadcast_in_dim3A_4, %select_n3A_179] : memref<8x6784xf32, #tpu.memory_space<vmem>>[vector<16xi32>, vector<16xi32>], vector<16xf32>,
        %select_n3A_189 = arith.select %and3A_176, %gather3A_188, %broadcast_in_dim3A_18 : vector<16xi1>, vector<16xf32>
        %mul3A_190 = arith.constant 16 : i32
        %mul3A_191 = arith.muli %scan3A_164, %mul3A_190 : i32
        %swap3A_192 = arith.constant 1 : i32
        %swap3A_193 = arith.index_cast %swap3A_192 : i32 to index
        %swap3A_194 = arith.index_cast %mul3A_191 : i32 to index
        %swap3A_195 = tpu.vector_load %arg10[%swap3A_193, %swap3A_194] {strides = array<i32>} : memref<8x512xf32, #tpu.memory_space<vmem>>, vector<16xf32>,
        tpu.vector_store %arg10[%swap3A_193, %swap3A_194], %select_n3A_189 {strides = array<i32>} : memref<8x512xf32, #tpu.memory_space<vmem>>, vector<16xf32>,
        %gather3A_196 = tpu.vector_load_idx %arg7[%broadcast_in_dim3A_6, %select_n3A_179] : memref<8x6784xf32, #tpu.memory_space<vmem>>[vector<16xi32>, vector<16xi32>], vector<16xf32>,
        %select_n3A_197 = arith.select %and3A_176, %gather3A_196, %broadcast_in_dim3A_18 : vector<16xi1>, vector<16xf32>
        %mul3A_198 = arith.constant 16 : i32
        %mul3A_199 = arith.muli %scan3A_164, %mul3A_198 : i32
        %swap3A_200 = arith.constant 2 : i32
        %swap3A_201 = arith.index_cast %swap3A_200 : i32 to index
        %swap3A_202 = arith.index_cast %mul3A_199 : i32 to index
        %swap3A_203 = tpu.vector_load %arg10[%swap3A_201, %swap3A_202] {strides = array<i32>} : memref<8x512xf32, #tpu.memory_space<vmem>>, vector<16xf32>,
        tpu.vector_store %arg10[%swap3A_201, %swap3A_202], %select_n3A_197 {strides = array<i32>} : memref<8x512xf32, #tpu.memory_space<vmem>>, vector<16xf32>,
        %gather3A_204 = tpu.vector_load_idx %arg7[%broadcast_in_dim3A_8, %select_n3A_179] : memref<8x6784xf32, #tpu.memory_space<vmem>>[vector<16xi32>, vector<16xi32>], vector<16xf32>,
        %select_n3A_205 = arith.select %and3A_176, %gather3A_204, %broadcast_in_dim3A_18 : vector<16xi1>, vector<16xf32>
        %mul3A_206 = arith.constant 16 : i32
        %mul3A_207 = arith.muli %scan3A_164, %mul3A_206 : i32
        %swap3A_208 = arith.constant 3 : i32
        %swap3A_209 = arith.index_cast %swap3A_208 : i32 to index
        %swap3A_210 = arith.index_cast %mul3A_207 : i32 to index
        %swap3A_211 = tpu.vector_load %arg10[%swap3A_209, %swap3A_210] {strides = array<i32>} : memref<8x512xf32, #tpu.memory_space<vmem>>, vector<16xf32>,
        tpu.vector_store %arg10[%swap3A_209, %swap3A_210], %select_n3A_205 {strides = array<i32>} : memref<8x512xf32, #tpu.memory_space<vmem>>, vector<16xf32>,
        %gather3A_212 = tpu.vector_load_idx %arg7[%broadcast_in_dim3A_10, %select_n3A_179] : memref<8x6784xf32, #tpu.memory_space<vmem>>[vector<16xi32>, vector<16xi32>], vector<16xf32>,
        %select_n3A_213 = arith.select %and3A_176, %gather3A_212, %broadcast_in_dim3A_18 : vector<16xi1>, vector<16xf32>
        %mul3A_214 = arith.constant 16 : i32
        %mul3A_215 = arith.muli %scan3A_164, %mul3A_214 : i32
        %swap3A_216 = arith.constant 4 : i32
        %swap3A_217 = arith.index_cast %swap3A_216 : i32 to index
        %swap3A_218 = arith.index_cast %mul3A_215 : i32 to index
        %swap3A_219 = tpu.vector_load %arg10[%swap3A_217, %swap3A_218] {strides = array<i32>} : memref<8x512xf32, #tpu.memory_space<vmem>>, vector<16xf32>,
        tpu.vector_store %arg10[%swap3A_217, %swap3A_218], %select_n3A_213 {strides = array<i32>} : memref<8x512xf32, #tpu.memory_space<vmem>>, vector<16xf32>,
        %gather3A_220 = tpu.vector_load_idx %arg7[%broadcast_in_dim3A_12, %select_n3A_179] : memref<8x6784xf32, #tpu.memory_space<vmem>>[vector<16xi32>, vector<16xi32>], vector<16xf32>,
        %select_n3A_221 = arith.select %and3A_176, %gather3A_220, %broadcast_in_dim3A_18 : vector<16xi1>, vector<16xf32>
        %mul3A_222 = arith.constant 16 : i32
        %mul3A_223 = arith.muli %scan3A_164, %mul3A_222 : i32
        %swap3A_224 = arith.constant 5 : i32
        %swap3A_225 = arith.index_cast %swap3A_224 : i32 to index
        %swap3A_226 = arith.index_cast %mul3A_223 : i32 to index
        %swap3A_227 = tpu.vector_load %arg10[%swap3A_225, %swap3A_226] {strides = array<i32>} : memref<8x512xf32, #tpu.memory_space<vmem>>, vector<16xf32>,
        tpu.vector_store %arg10[%swap3A_225, %swap3A_226], %select_n3A_221 {strides = array<i32>} : memref<8x512xf32, #tpu.memory_space<vmem>>, vector<16xf32>,
        %gather3A_228 = tpu.vector_load_idx %arg7[%broadcast_in_dim3A_14, %select_n3A_179] : memref<8x6784xf32, #tpu.memory_space<vmem>>[vector<16xi32>, vector<16xi32>], vector<16xf32>,
        %select_n3A_229 = arith.select %and3A_176, %gather3A_228, %broadcast_in_dim3A_18 : vector<16xi1>, vector<16xf32>
        %mul3A_230 = arith.constant 16 : i32
        %mul3A_231 = arith.muli %scan3A_164, %mul3A_230 : i32
        %swap3A_232 = arith.constant 6 : i32
        %swap3A_233 = arith.index_cast %swap3A_232 : i32 to index
        %swap3A_234 = arith.index_cast %mul3A_231 : i32 to index
        %swap3A_235 = tpu.vector_load %arg10[%swap3A_233, %swap3A_234] {strides = array<i32>} : memref<8x512xf32, #tpu.memory_space<vmem>>, vector<16xf32>,
        tpu.vector_store %arg10[%swap3A_233, %swap3A_234], %select_n3A_229 {strides = array<i32>} : memref<8x512xf32, #tpu.memory_space<vmem>>, vector<16xf32>,
        %gather3A_236 = tpu.vector_load_idx %arg7[%broadcast_in_dim3A_16, %select_n3A_179] : memref<8x6784xf32, #tpu.memory_space<vmem>>[vector<16xi32>, vector<16xi32>], vector<16xf32>,
        %select_n3A_237 = arith.select %and3A_176, %gather3A_236, %broadcast_in_dim3A_18 : vector<16xi1>, vector<16xf32>
        %mul3A_238 = arith.constant 16 : i32
        %mul3A_239 = arith.muli %scan3A_164, %mul3A_238 : i32
        %swap3A_240 = arith.constant 7 : i32
        %swap3A_241 = arith.index_cast %swap3A_240 : i32 to index
        %swap3A_242 = arith.index_cast %mul3A_239 : i32 to index
        %swap3A_243 = tpu.vector_load %arg10[%swap3A_241, %swap3A_242] {strides = array<i32>} : memref<8x512xf32, #tpu.memory_space<vmem>>, vector<16xf32>,
        tpu.vector_store %arg10[%swap3A_241, %swap3A_242], %select_n3A_237 {strides = array<i32>} : memref<8x512xf32, #tpu.memory_space<vmem>>, vector<16xf32>,
        %scan3A_244 = arith.constant 0 : i32
        scf.yield %scan3A_244 : i32
      }
      %scan3A_82 = arith.constant 32 : i32
      %mul3A_83 = arith.constant 8 : i32
      %mul3A_84 = arith.muli %select_n3A, %mul3A_83 : i32
      "tpu.region"() ({
        %run_scoped3A = tpu.sem_alloc : memref<!tpu.dma_semaphore, #tpu.memory_space<semaphore_mem>>
        %dma_start3A = arith.constant 0 : i32
        %dma_start3A_85 = tpu.memref_slice %arg5[%select_n3A_54, %mul3A_84, %dma_start3A] : memref<3x80x512xf32, #tpu.memory_space<hbm>> -> memref<1x8x512xf32, #tpu.memory_space<hbm>>
        %dma_start3A_86 = tpu.memref_squeeze %dma_start3A_85 : memref<1x8x512xf32, #tpu.memory_space<hbm>> -> memref<8x512xf32, #tpu.memory_space<hbm>>
        %dma_start3A_87 = arith.constant 0 : i32
        %dma_start3A_88 = tpu.memref_slice %arg5[%select_n3A_54, %mul3A_84, %dma_start3A_87] : memref<3x80x512xf32, #tpu.memory_space<hbm>> -> memref<1x8x512xf32, #tpu.memory_space<hbm>>
        %dma_start3A_89 = tpu.memref_squeeze %dma_start3A_88 : memref<1x8x512xf32, #tpu.memory_space<hbm>> -> memref<8x512xf32, #tpu.memory_space<hbm>>
        tpu.enqueue_dma source(%arg10 : memref<8x512xf32, #tpu.memory_space<vmem>>) target(%dma_start3A_89 : memref<8x512xf32, #tpu.memory_space<hbm>>) target_semaphore(%run_scoped3A : memref<!tpu.dma_semaphore, #tpu.memory_space<semaphore_mem>>)
        %dma_wait3A = arith.constant 0 : i32
        %dma_wait3A_90 = tpu.memref_slice %arg5[%select_n3A_54, %mul3A_84, %dma_wait3A] : memref<3x80x512xf32, #tpu.memory_space<hbm>> -> memref<1x8x512xf32, #tpu.memory_space<hbm>>
        %dma_wait3A_91 = tpu.memref_squeeze %dma_wait3A_90 : memref<1x8x512xf32, #tpu.memory_space<hbm>> -> memref<8x512xf32, #tpu.memory_space<hbm>>
        %dma_wait3A_92 = arith.constant 0 : i32
        %dma_wait3A_93 = tpu.memref_slice %arg5[%select_n3A_54, %mul3A_84, %dma_wait3A_92] : memref<3x80x512xf32, #tpu.memory_space<hbm>> -> memref<1x8x512xf32, #tpu.memory_space<hbm>>
        %dma_wait3A_94 = tpu.memref_squeeze %dma_wait3A_93 : memref<1x8x512xf32, #tpu.memory_space<hbm>> -> memref<8x512xf32, #tpu.memory_space<hbm>>
        tpu.wait_dma2 semaphore(%run_scoped3A : memref<!tpu.dma_semaphore, #tpu.memory_space<semaphore_mem>>) src(%arg10 : memref<8x512xf32, #tpu.memory_space<vmem>>) dst(%dma_wait3A_94 : memref<8x512xf32, #tpu.memory_space<hbm>>)
        tpu.yield
      }) : () -> ()
    } else {
    }
    %not3A = arith.constant true
    %not3A_20 = arith.xori %lt3A_1, %not3A : i1
    %convert_element_type3A_21 = arith.extui %not3A_20 : i1 to i32
    %cond3A_22 = arith.constant 0 : i32
    %cond3A_23 = arith.cmpi ne, %convert_element_type3A_21, %cond3A_22 : i32
    scf.if %cond3A_23 {
      %sub3A = arith.constant 30 : i32
      %sub3A_24 = arith.subi %add3A, %sub3A : i32
      %eq3A = arith.constant 0 : i32
      %eq3A_25 = arith.cmpi eq, %sub3A_24, %eq3A : i32
      %convert_element_type3A_26 = arith.extui %eq3A_25 : i1 to i32
      %cond3A_27 = arith.constant 0 : i32
      %cond3A_28 = arith.cmpi ne, %convert_element_type3A_26, %cond3A_27 : i32
      scf.if %cond3A_28 {
        "tpu.region"() ({
          %run_scoped3A = tpu.sem_alloc : memref<!tpu.dma_semaphore, #tpu.memory_space<semaphore_mem>>
          %dma_start3A = arith.constant 0 : i32
          %dma_start3A_45 = arith.constant 0 : i32
          %dma_start3A_46 = tpu.memref_slice %arg8[%dma_start3A, %dma_start3A_45] : memref<4x10112xf32, #tpu.memory_space<vmem>> -> memref<4x10112xf32, #tpu.memory_space<vmem>>
          %dma_start3A_47 = arith.constant 0 : i32
          %dma_start3A_48 = arith.constant 0 : i32
          %dma_start3A_49 = tpu.memref_slice %arg3[%dma_start3A_47, %dma_start3A_48] : memref<4x20000xf32, #tpu.memory_space<hbm>> -> memref<4x10112xf32, #tpu.memory_space<hbm>>
          %dma_start3A_50 = arith.constant 0 : i32
          %dma_start3A_51 = arith.constant 0 : i32
          %dma_start3A_52 = tpu.memref_slice %arg8[%dma_start3A_50, %dma_start3A_51] : memref<4x10112xf32, #tpu.memory_space<vmem>> -> memref<4x10112xf32, #tpu.memory_space<vmem>>
          %dma_start3A_53 = arith.constant 0 : i32
          %dma_start3A_54 = arith.constant 0 : i32
          %dma_start3A_55 = tpu.memref_slice %arg3[%dma_start3A_53, %dma_start3A_54] : memref<4x20000xf32, #tpu.memory_space<hbm>> -> memref<4x10112xf32, #tpu.memory_space<hbm>>
          tpu.enqueue_dma source(%dma_start3A_55 : memref<4x10112xf32, #tpu.memory_space<hbm>>) target(%dma_start3A_52 : memref<4x10112xf32, #tpu.memory_space<vmem>>) target_semaphore(%run_scoped3A : memref<!tpu.dma_semaphore, #tpu.memory_space<semaphore_mem>>)
          %dma_wait3A = arith.constant 0 : i32
          %dma_wait3A_56 = arith.constant 0 : i32
          %dma_wait3A_57 = tpu.memref_slice %arg8[%dma_wait3A, %dma_wait3A_56] : memref<4x10112xf32, #tpu.memory_space<vmem>> -> memref<4x10112xf32, #tpu.memory_space<vmem>>
          %dma_wait3A_58 = arith.constant 0 : i32
          %dma_wait3A_59 = arith.constant 0 : i32
          %dma_wait3A_60 = tpu.memref_slice %arg3[%dma_wait3A_58, %dma_wait3A_59] : memref<4x20000xf32, #tpu.memory_space<hbm>> -> memref<4x10112xf32, #tpu.memory_space<hbm>>
          %dma_wait3A_61 = arith.constant 0 : i32
          %dma_wait3A_62 = arith.constant 0 : i32
          %dma_wait3A_63 = tpu.memref_slice %arg8[%dma_wait3A_61, %dma_wait3A_62] : memref<4x10112xf32, #tpu.memory_space<vmem>> -> memref<4x10112xf32, #tpu.memory_space<vmem>>
          %dma_wait3A_64 = arith.constant 0 : i32
          %dma_wait3A_65 = arith.constant 0 : i32
          %dma_wait3A_66 = tpu.memref_slice %arg3[%dma_wait3A_64, %dma_wait3A_65] : memref<4x20000xf32, #tpu.memory_space<hbm>> -> memref<4x10112xf32, #tpu.memory_space<hbm>>
          tpu.wait_dma2 semaphore(%run_scoped3A : memref<!tpu.dma_semaphore, #tpu.memory_space<semaphore_mem>>) src(%dma_wait3A_66 : memref<4x10112xf32, #tpu.memory_space<hbm>>) dst(%dma_wait3A_63 : memref<4x10112xf32, #tpu.memory_space<vmem>>)
          tpu.yield
        }) : () -> ()
      } else {
      }
      %eq3A_29 = arith.constant 1 : i32
      %eq3A_30 = arith.cmpi eq, %sub3A_24, %eq3A_29 : i32
      %convert_element_type3A_31 = arith.extui %eq3A_30 : i1 to i32
      %cond3A_32 = arith.constant 0 : i32
      %cond3A_33 = arith.cmpi ne, %convert_element_type3A_31, %cond3A_32 : i32
      scf.if %cond3A_33 {
        "tpu.region"() ({
          %run_scoped3A = tpu.sem_alloc : memref<!tpu.dma_semaphore, #tpu.memory_space<semaphore_mem>>
          %dma_start3A = arith.constant 0 : i32
          %dma_start3A_45 = arith.constant 0 : i32
          %dma_start3A_46 = tpu.memref_slice %arg8[%dma_start3A, %dma_start3A_45] : memref<4x10112xf32, #tpu.memory_space<vmem>> -> memref<4x9856xf32, #tpu.memory_space<vmem>>
          %dma_start3A_47 = arith.constant 0 : i32
          %dma_start3A_48 = arith.constant 10112 : i32
          %dma_start3A_49 = tpu.memref_slice %arg3[%dma_start3A_47, %dma_start3A_48] : memref<4x20000xf32, #tpu.memory_space<hbm>> -> memref<4x9856xf32, #tpu.memory_space<hbm>>
          %dma_start3A_50 = arith.constant 0 : i32
          %dma_start3A_51 = arith.constant 0 : i32
          %dma_start3A_52 = tpu.memref_slice %arg8[%dma_start3A_50, %dma_start3A_51] : memref<4x10112xf32, #tpu.memory_space<vmem>> -> memref<4x9856xf32, #tpu.memory_space<vmem>>
          %dma_start3A_53 = arith.constant 0 : i32
          %dma_start3A_54 = arith.constant 10112 : i32
          %dma_start3A_55 = tpu.memref_slice %arg3[%dma_start3A_53, %dma_start3A_54] : memref<4x20000xf32, #tpu.memory_space<hbm>> -> memref<4x9856xf32, #tpu.memory_space<hbm>>
          tpu.enqueue_dma source(%dma_start3A_55 : memref<4x9856xf32, #tpu.memory_space<hbm>>) target(%dma_start3A_52 : memref<4x9856xf32, #tpu.memory_space<vmem>>) target_semaphore(%run_scoped3A : memref<!tpu.dma_semaphore, #tpu.memory_space<semaphore_mem>>)
          %dma_wait3A = arith.constant 0 : i32
          %dma_wait3A_56 = arith.constant 0 : i32
          %dma_wait3A_57 = tpu.memref_slice %arg8[%dma_wait3A, %dma_wait3A_56] : memref<4x10112xf32, #tpu.memory_space<vmem>> -> memref<4x9856xf32, #tpu.memory_space<vmem>>
          %dma_wait3A_58 = arith.constant 0 : i32
          %dma_wait3A_59 = arith.constant 10112 : i32
          %dma_wait3A_60 = tpu.memref_slice %arg3[%dma_wait3A_58, %dma_wait3A_59] : memref<4x20000xf32, #tpu.memory_space<hbm>> -> memref<4x9856xf32, #tpu.memory_space<hbm>>
          %dma_wait3A_61 = arith.constant 0 : i32
          %dma_wait3A_62 = arith.constant 0 : i32
          %dma_wait3A_63 = tpu.memref_slice %arg8[%dma_wait3A_61, %dma_wait3A_62] : memref<4x10112xf32, #tpu.memory_space<vmem>> -> memref<4x9856xf32, #tpu.memory_space<vmem>>
          %dma_wait3A_64 = arith.constant 0 : i32
          %dma_wait3A_65 = arith.constant 10112 : i32
          %dma_wait3A_66 = tpu.memref_slice %arg3[%dma_wait3A_64, %dma_wait3A_65] : memref<4x20000xf32, #tpu.memory_space<hbm>> -> memref<4x9856xf32, #tpu.memory_space<hbm>>
          tpu.wait_dma2 semaphore(%run_scoped3A : memref<!tpu.dma_semaphore, #tpu.memory_space<semaphore_mem>>) src(%dma_wait3A_66 : memref<4x9856xf32, #tpu.memory_space<hbm>>) dst(%dma_wait3A_63 : memref<4x9856xf32, #tpu.memory_space<vmem>>)
          tpu.yield
        }) : () -> ()
      } else {
      }
      %mul3A_34 = arith.constant 10112 : i32
      %mul3A_35 = arith.muli %sub3A_24, %mul3A_34 : i32
      %eq3A_36 = arith.constant 1 : i32
      %eq3A_37 = arith.cmpi eq, %sub3A_24, %eq3A_36 : i32
      %jit3A = arith.constant 9856 : i32
      %jit3A_38 = arith.constant 10112 : i32
      %select_n3A = arith.select %eq3A_37, %jit3A, %jit3A_38 : i32
      %scan3A = arith.constant 0 : i32
      %scan3A_39 = arith.constant 0 : i32
      %scan3A_40 = arith.constant 32 : i32
      %scan3A_41 = arith.addi %scan3A_39, %scan3A_40 : i32
      %scan3A_42 = arith.constant 2 : i32
      %scan3A_43 = scf.for %scan3A_45 = %scan3A_39 to %scan3A_41 step %scan3A_42 iter_args(%scan3A_46 = %scan3A) -> (i32)  : i32 {
        %mul3A_47 = arith.constant 16 : i32
        %mul3A_48 = arith.muli %scan3A_45, %mul3A_47 : i32
        %get3A = arith.index_cast %mul3A_48 : i32 to index
        %get3A_49 = tpu.vector_load %arg9[%get3A] {strides = array<i32>} : memref<512xi32, #tpu.memory_space<vmem>>, vector<16xi32>,
        %sub3A_50 = vector.broadcast %mul3A_35 : i32 to vector<16xi32>
        %sub3A_51 = arith.subi %get3A_49, %sub3A_50 : vector<16xi32>
        %ge3A = arith.constant 0 : i32
        %ge3A_52 = vector.broadcast %ge3A : i32 to vector<16xi32>
        %ge3A_53 = arith.cmpi sge, %sub3A_51, %ge3A_52 : vector<16xi32>
        %lt3A_54 = vector.broadcast %select_n3A : i32 to vector<16xi32>
        %lt3A_55 = arith.cmpi slt, %sub3A_51, %lt3A_54 : vector<16xi32>
        %and3A = arith.andi %ge3A_53, %lt3A_55 : vector<16xi1>
        %jit3A_56 = arith.constant 0 : i32
        %broadcast_in_dim3A_57 = vector.broadcast %jit3A_56 : i32 to vector<16xi32>
        %select_n3A_58 = arith.select %and3A, %sub3A_51, %broadcast_in_dim3A_57 : vector<16xi1>, vector<16xi32>
        %gather3A = tpu.vector_load_idx %arg8[%broadcast_in_dim3A_2, %select_n3A_58] : memref<4x10112xf32, #tpu.memory_space<vmem>>[vector<16xi32>, vector<16xi32>], vector<16xf32>,
        %select_n3A_59 = arith.select %and3A, %gather3A, %broadcast_in_dim3A_18 : vector<16xi1>, vector<16xf32>
        %mul3A_60 = arith.constant 16 : i32
        %mul3A_61 = arith.muli %scan3A_45, %mul3A_60 : i32
        %swap3A = arith.constant 0 : i32
        %swap3A_62 = arith.index_cast %swap3A : i32 to index
        %swap3A_63 = arith.index_cast %mul3A_61 : i32 to index
        %swap3A_64 = tpu.vector_load %arg10[%swap3A_62, %swap3A_63] {strides = array<i32>} : memref<8x512xf32, #tpu.memory_space<vmem>>, vector<16xf32>,
        tpu.vector_store %arg10[%swap3A_62, %swap3A_63], %select_n3A_59 {strides = array<i32>} : memref<8x512xf32, #tpu.memory_space<vmem>>, vector<16xf32>,
        %gather3A_65 = tpu.vector_load_idx %arg8[%broadcast_in_dim3A_4, %select_n3A_58] : memref<4x10112xf32, #tpu.memory_space<vmem>>[vector<16xi32>, vector<16xi32>], vector<16xf32>,
        %select_n3A_66 = arith.select %and3A, %gather3A_65, %broadcast_in_dim3A_18 : vector<16xi1>, vector<16xf32>
        %mul3A_67 = arith.constant 16 : i32
        %mul3A_68 = arith.muli %scan3A_45, %mul3A_67 : i32
        %swap3A_69 = arith.constant 1 : i32
        %swap3A_70 = arith.index_cast %swap3A_69 : i32 to index
        %swap3A_71 = arith.index_cast %mul3A_68 : i32 to index
        %swap3A_72 = tpu.vector_load %arg10[%swap3A_70, %swap3A_71] {strides = array<i32>} : memref<8x512xf32, #tpu.memory_space<vmem>>, vector<16xf32>,
        tpu.vector_store %arg10[%swap3A_70, %swap3A_71], %select_n3A_66 {strides = array<i32>} : memref<8x512xf32, #tpu.memory_space<vmem>>, vector<16xf32>,
        %gather3A_73 = tpu.vector_load_idx %arg8[%broadcast_in_dim3A_6, %select_n3A_58] : memref<4x10112xf32, #tpu.memory_space<vmem>>[vector<16xi32>, vector<16xi32>], vector<16xf32>,
        %select_n3A_74 = arith.select %and3A, %gather3A_73, %broadcast_in_dim3A_18 : vector<16xi1>, vector<16xf32>
        %mul3A_75 = arith.constant 16 : i32
        %mul3A_76 = arith.muli %scan3A_45, %mul3A_75 : i32
        %swap3A_77 = arith.constant 2 : i32
        %swap3A_78 = arith.index_cast %swap3A_77 : i32 to index
        %swap3A_79 = arith.index_cast %mul3A_76 : i32 to index
        %swap3A_80 = tpu.vector_load %arg10[%swap3A_78, %swap3A_79] {strides = array<i32>} : memref<8x512xf32, #tpu.memory_space<vmem>>, vector<16xf32>,
        tpu.vector_store %arg10[%swap3A_78, %swap3A_79], %select_n3A_74 {strides = array<i32>} : memref<8x512xf32, #tpu.memory_space<vmem>>, vector<16xf32>,
        %gather3A_81 = tpu.vector_load_idx %arg8[%broadcast_in_dim3A_8, %select_n3A_58] : memref<4x10112xf32, #tpu.memory_space<vmem>>[vector<16xi32>, vector<16xi32>], vector<16xf32>,
        %select_n3A_82 = arith.select %and3A, %gather3A_81, %broadcast_in_dim3A_18 : vector<16xi1>, vector<16xf32>
        %mul3A_83 = arith.constant 16 : i32
        %mul3A_84 = arith.muli %scan3A_45, %mul3A_83 : i32
        %swap3A_85 = arith.constant 3 : i32
        %swap3A_86 = arith.index_cast %swap3A_85 : i32 to index
        %swap3A_87 = arith.index_cast %mul3A_84 : i32 to index
        %swap3A_88 = tpu.vector_load %arg10[%swap3A_86, %swap3A_87] {strides = array<i32>} : memref<8x512xf32, #tpu.memory_space<vmem>>, vector<16xf32>,
        tpu.vector_store %arg10[%swap3A_86, %swap3A_87], %select_n3A_82 {strides = array<i32>} : memref<8x512xf32, #tpu.memory_space<vmem>>, vector<16xf32>,
        %scan3A_89 = arith.constant 0 : i32
        %scan3A_90 = arith.constant 1 : i32
        %scan3A_91 = arith.addi %scan3A_45, %scan3A_90 : i32
        %mul3A_92 = arith.constant 16 : i32
        %mul3A_93 = arith.muli %scan3A_91, %mul3A_92 : i32
        %get3A_94 = arith.index_cast %mul3A_93 : i32 to index
        %get3A_95 = tpu.vector_load %arg9[%get3A_94] {strides = array<i32>} : memref<512xi32, #tpu.memory_space<vmem>>, vector<16xi32>,
        %sub3A_96 = vector.broadcast %mul3A_35 : i32 to vector<16xi32>
        %sub3A_97 = arith.subi %get3A_95, %sub3A_96 : vector<16xi32>
        %ge3A_98 = arith.constant 0 : i32
        %ge3A_99 = vector.broadcast %ge3A_98 : i32 to vector<16xi32>
        %ge3A_100 = arith.cmpi sge, %sub3A_97, %ge3A_99 : vector<16xi32>
        %lt3A_101 = vector.broadcast %select_n3A : i32 to vector<16xi32>
        %lt3A_102 = arith.cmpi slt, %sub3A_97, %lt3A_101 : vector<16xi32>
        %and3A_103 = arith.andi %ge3A_100, %lt3A_102 : vector<16xi1>
        %jit3A_104 = arith.constant 0 : i32
        %broadcast_in_dim3A_105 = vector.broadcast %jit3A_104 : i32 to vector<16xi32>
        %select_n3A_106 = arith.select %and3A_103, %sub3A_97, %broadcast_in_dim3A_105 : vector<16xi1>, vector<16xi32>
        %gather3A_107 = tpu.vector_load_idx %arg8[%broadcast_in_dim3A_2, %select_n3A_106] : memref<4x10112xf32, #tpu.memory_space<vmem>>[vector<16xi32>, vector<16xi32>], vector<16xf32>,
        %select_n3A_108 = arith.select %and3A_103, %gather3A_107, %broadcast_in_dim3A_18 : vector<16xi1>, vector<16xf32>
        %mul3A_109 = arith.constant 16 : i32
        %mul3A_110 = arith.muli %scan3A_91, %mul3A_109 : i32
        %swap3A_111 = arith.constant 0 : i32
        %swap3A_112 = arith.index_cast %swap3A_111 : i32 to index
        %swap3A_113 = arith.index_cast %mul3A_110 : i32 to index
        %swap3A_114 = tpu.vector_load %arg10[%swap3A_112, %swap3A_113] {strides = array<i32>} : memref<8x512xf32, #tpu.memory_space<vmem>>, vector<16xf32>,
        tpu.vector_store %arg10[%swap3A_112, %swap3A_113], %select_n3A_108 {strides = array<i32>} : memref<8x512xf32, #tpu.memory_space<vmem>>, vector<16xf32>,
        %gather3A_115 = tpu.vector_load_idx %arg8[%broadcast_in_dim3A_4, %select_n3A_106] : memref<4x10112xf32, #tpu.memory_space<vmem>>[vector<16xi32>, vector<16xi32>], vector<16xf32>,
        %select_n3A_116 = arith.select %and3A_103, %gather3A_115, %broadcast_in_dim3A_18 : vector<16xi1>, vector<16xf32>
        %mul3A_117 = arith.constant 16 : i32
        %mul3A_118 = arith.muli %scan3A_91, %mul3A_117 : i32
        %swap3A_119 = arith.constant 1 : i32
        %swap3A_120 = arith.index_cast %swap3A_119 : i32 to index
        %swap3A_121 = arith.index_cast %mul3A_118 : i32 to index
        %swap3A_122 = tpu.vector_load %arg10[%swap3A_120, %swap3A_121] {strides = array<i32>} : memref<8x512xf32, #tpu.memory_space<vmem>>, vector<16xf32>,
        tpu.vector_store %arg10[%swap3A_120, %swap3A_121], %select_n3A_116 {strides = array<i32>} : memref<8x512xf32, #tpu.memory_space<vmem>>, vector<16xf32>,
        %gather3A_123 = tpu.vector_load_idx %arg8[%broadcast_in_dim3A_6, %select_n3A_106] : memref<4x10112xf32, #tpu.memory_space<vmem>>[vector<16xi32>, vector<16xi32>], vector<16xf32>,
        %select_n3A_124 = arith.select %and3A_103, %gather3A_123, %broadcast_in_dim3A_18 : vector<16xi1>, vector<16xf32>
        %mul3A_125 = arith.constant 16 : i32
        %mul3A_126 = arith.muli %scan3A_91, %mul3A_125 : i32
        %swap3A_127 = arith.constant 2 : i32
        %swap3A_128 = arith.index_cast %swap3A_127 : i32 to index
        %swap3A_129 = arith.index_cast %mul3A_126 : i32 to index
        %swap3A_130 = tpu.vector_load %arg10[%swap3A_128, %swap3A_129] {strides = array<i32>} : memref<8x512xf32, #tpu.memory_space<vmem>>, vector<16xf32>,
        tpu.vector_store %arg10[%swap3A_128, %swap3A_129], %select_n3A_124 {strides = array<i32>} : memref<8x512xf32, #tpu.memory_space<vmem>>, vector<16xf32>,
        %gather3A_131 = tpu.vector_load_idx %arg8[%broadcast_in_dim3A_8, %select_n3A_106] : memref<4x10112xf32, #tpu.memory_space<vmem>>[vector<16xi32>, vector<16xi32>], vector<16xf32>,
        %select_n3A_132 = arith.select %and3A_103, %gather3A_131, %broadcast_in_dim3A_18 : vector<16xi1>, vector<16xf32>
        %mul3A_133 = arith.constant 16 : i32
        %mul3A_134 = arith.muli %scan3A_91, %mul3A_133 : i32
        %swap3A_135 = arith.constant 3 : i32
        %swap3A_136 = arith.index_cast %swap3A_135 : i32 to index
        %swap3A_137 = arith.index_cast %mul3A_134 : i32 to index
        %swap3A_138 = tpu.vector_load %arg10[%swap3A_136, %swap3A_137] {strides = array<i32>} : memref<8x512xf32, #tpu.memory_space<vmem>>, vector<16xf32>,
        tpu.vector_store %arg10[%swap3A_136, %swap3A_137], %select_n3A_132 {strides = array<i32>} : memref<8x512xf32, #tpu.memory_space<vmem>>, vector<16xf32>,
        %scan3A_139 = arith.constant 0 : i32
        scf.yield %scan3A_139 : i32
      }
      %scan3A_44 = arith.constant 32 : i32
      "tpu.region"() ({
        %run_scoped3A = tpu.sem_alloc : memref<!tpu.dma_semaphore, #tpu.memory_space<semaphore_mem>>
        %dma_start3A = arith.constant 0 : i32
        %dma_start3A_45 = arith.constant 0 : i32
        %dma_start3A_46 = tpu.memref_slice %arg6[%sub3A_24, %dma_start3A, %dma_start3A_45] : memref<2x8x512xf32, #tpu.memory_space<hbm>> -> memref<1x8x512xf32, #tpu.memory_space<hbm>>
        %dma_start3A_47 = tpu.memref_squeeze %dma_start3A_46 : memref<1x8x512xf32, #tpu.memory_space<hbm>> -> memref<8x512xf32, #tpu.memory_space<hbm>>
        %dma_start3A_48 = arith.constant 0 : i32
        %dma_start3A_49 = arith.constant 0 : i32
        %dma_start3A_50 = tpu.memref_slice %arg6[%sub3A_24, %dma_start3A_48, %dma_start3A_49] : memref<2x8x512xf32, #tpu.memory_space<hbm>> -> memref<1x8x512xf32, #tpu.memory_space<hbm>>
        %dma_start3A_51 = tpu.memref_squeeze %dma_start3A_50 : memref<1x8x512xf32, #tpu.memory_space<hbm>> -> memref<8x512xf32, #tpu.memory_space<hbm>>
        tpu.enqueue_dma source(%arg10 : memref<8x512xf32, #tpu.memory_space<vmem>>) target(%dma_start3A_51 : memref<8x512xf32, #tpu.memory_space<hbm>>) target_semaphore(%run_scoped3A : memref<!tpu.dma_semaphore, #tpu.memory_space<semaphore_mem>>)
        %dma_wait3A = arith.constant 0 : i32
        %dma_wait3A_52 = arith.constant 0 : i32
        %dma_wait3A_53 = tpu.memref_slice %arg6[%sub3A_24, %dma_wait3A, %dma_wait3A_52] : memref<2x8x512xf32, #tpu.memory_space<hbm>> -> memref<1x8x512xf32, #tpu.memory_space<hbm>>
        %dma_wait3A_54 = tpu.memref_squeeze %dma_wait3A_53 : memref<1x8x512xf32, #tpu.memory_space<hbm>> -> memref<8x512xf32, #tpu.memory_space<hbm>>
        %dma_wait3A_55 = arith.constant 0 : i32
        %dma_wait3A_56 = arith.constant 0 : i32
        %dma_wait3A_57 = tpu.memref_slice %arg6[%sub3A_24, %dma_wait3A_55, %dma_wait3A_56] : memref<2x8x512xf32, #tpu.memory_space<hbm>> -> memref<1x8x512xf32, #tpu.memory_space<hbm>>
        %dma_wait3A_58 = tpu.memref_squeeze %dma_wait3A_57 : memref<1x8x512xf32, #tpu.memory_space<hbm>> -> memref<8x512xf32, #tpu.memory_space<hbm>>
        tpu.wait_dma2 semaphore(%run_scoped3A : memref<!tpu.dma_semaphore, #tpu.memory_space<semaphore_mem>>) src(%arg10 : memref<8x512xf32, #tpu.memory_space<vmem>>) dst(%dma_wait3A_58 : memref<8x512xf32, #tpu.memory_space<hbm>>)
        tpu.yield
      }) : () -> ()
    } else {
    }
    return
  }
}

#map = affine_map<(d0, d1) -> (0)>
module attributes {stable_mosaic.version = 14 : i64} {
  func.func @scatter_k(%arg0: i32, %arg1: i32, %arg2: memref<512xi32, #tpu.memory_space<hbm>>, %arg3: memref<512xf32, #tpu.memory_space<hbm>>, %arg4: memref<20000xf32, #tpu.memory_space<hbm>>, %arg5: memref<640xf32, #tpu.memory_space<vmem>>, %arg6: memref<512xi32, #tpu.memory_space<vmem>>, %arg7: memref<512xf32, #tpu.memory_space<vmem>>) attributes {dimension_semantics = [#tpu.dimension_semantics<core_parallel>, #tpu.dimension_semantics<subcore_parallel>], iteration_bounds = array<i64: 2, 16>, scalar_prefetch = 0 : i64, scratch_operands = 3 : i64, tpu.core_type = #tpu.core_type<sc_vector_subcore>, window_params = [{transform_indices = #map}, {transform_indices = #map}, {transform_indices = #map}]} {
    %mul3A = arith.constant 2 : i32
    %mul3A_0 = arith.muli %arg1, %mul3A : i32
    %add3A = arith.addi %mul3A_0, %arg0 : i32
    %lt3A = arith.constant 4 : i32
    %lt3A_1 = arith.cmpi slt, %add3A, %lt3A : i32
    %mul3A_2 = arith.constant 632 : i32
    %mul3A_3 = arith.muli %add3A, %mul3A_2 : i32
    %sub3A = arith.constant 4 : i32
    %sub3A_4 = arith.subi %add3A, %sub3A : i32
    %mul3A_5 = arith.constant 624 : i32
    %mul3A_6 = arith.muli %sub3A_4, %mul3A_5 : i32
    %add3A_7 = arith.constant 2528 : i32
    %add3A_8 = arith.addi %add3A_7, %mul3A_6 : i32
    %select_n3A = arith.select %lt3A_1, %mul3A_3, %add3A_8 : i32
    %jit3A = arith.constant 632 : i32
    %jit3A_9 = arith.constant 624 : i32
    %select_n3A_10 = arith.select %lt3A_1, %jit3A, %jit3A_9 : i32
    %broadcast_in_dim3A = arith.constant 0.000000e+00 : f32
    %broadcast_in_dim3A_11 = vector.broadcast %broadcast_in_dim3A : f32 to vector<16xf32>
    %swap3A = arith.constant 0 : index
    %swap3A_12 = tpu.vector_load %arg5[%swap3A] {strides = array<i32>} : memref<640xf32, #tpu.memory_space<vmem>>, vector<16xf32>,
    tpu.vector_store %arg5[%swap3A], %broadcast_in_dim3A_11 {strides = array<i32>} : memref<640xf32, #tpu.memory_space<vmem>>, vector<16xf32>,
    %swap3A_13 = arith.constant 16 : index
    %swap3A_14 = tpu.vector_load %arg5[%swap3A_13] {strides = array<i32>} : memref<640xf32, #tpu.memory_space<vmem>>, vector<16xf32>,
    tpu.vector_store %arg5[%swap3A_13], %broadcast_in_dim3A_11 {strides = array<i32>} : memref<640xf32, #tpu.memory_space<vmem>>, vector<16xf32>,
    %swap3A_15 = arith.constant 32 : index
    %swap3A_16 = tpu.vector_load %arg5[%swap3A_15] {strides = array<i32>} : memref<640xf32, #tpu.memory_space<vmem>>, vector<16xf32>,
    tpu.vector_store %arg5[%swap3A_15], %broadcast_in_dim3A_11 {strides = array<i32>} : memref<640xf32, #tpu.memory_space<vmem>>, vector<16xf32>,
    %swap3A_17 = arith.constant 48 : index
    %swap3A_18 = tpu.vector_load %arg5[%swap3A_17] {strides = array<i32>} : memref<640xf32, #tpu.memory_space<vmem>>, vector<16xf32>,
    tpu.vector_store %arg5[%swap3A_17], %broadcast_in_dim3A_11 {strides = array<i32>} : memref<640xf32, #tpu.memory_space<vmem>>, vector<16xf32>,
    %swap3A_19 = arith.constant 64 : index
    %swap3A_20 = tpu.vector_load %arg5[%swap3A_19] {strides = array<i32>} : memref<640xf32, #tpu.memory_space<vmem>>, vector<16xf32>,
    tpu.vector_store %arg5[%swap3A_19], %broadcast_in_dim3A_11 {strides = array<i32>} : memref<640xf32, #tpu.memory_space<vmem>>, vector<16xf32>,
    %swap3A_21 = arith.constant 80 : index
    %swap3A_22 = tpu.vector_load %arg5[%swap3A_21] {strides = array<i32>} : memref<640xf32, #tpu.memory_space<vmem>>, vector<16xf32>,
    tpu.vector_store %arg5[%swap3A_21], %broadcast_in_dim3A_11 {strides = array<i32>} : memref<640xf32, #tpu.memory_space<vmem>>, vector<16xf32>,
    %swap3A_23 = arith.constant 96 : index
    %swap3A_24 = tpu.vector_load %arg5[%swap3A_23] {strides = array<i32>} : memref<640xf32, #tpu.memory_space<vmem>>, vector<16xf32>,
    tpu.vector_store %arg5[%swap3A_23], %broadcast_in_dim3A_11 {strides = array<i32>} : memref<640xf32, #tpu.memory_space<vmem>>, vector<16xf32>,
    %swap3A_25 = arith.constant 112 : index
    %swap3A_26 = tpu.vector_load %arg5[%swap3A_25] {strides = array<i32>} : memref<640xf32, #tpu.memory_space<vmem>>, vector<16xf32>,
    tpu.vector_store %arg5[%swap3A_25], %broadcast_in_dim3A_11 {strides = array<i32>} : memref<640xf32, #tpu.memory_space<vmem>>, vector<16xf32>,
    %swap3A_27 = arith.constant 128 : index
    %swap3A_28 = tpu.vector_load %arg5[%swap3A_27] {strides = array<i32>} : memref<640xf32, #tpu.memory_space<vmem>>, vector<16xf32>,
    tpu.vector_store %arg5[%swap3A_27], %broadcast_in_dim3A_11 {strides = array<i32>} : memref<640xf32, #tpu.memory_space<vmem>>, vector<16xf32>,
    %swap3A_29 = arith.constant 144 : index
    %swap3A_30 = tpu.vector_load %arg5[%swap3A_29] {strides = array<i32>} : memref<640xf32, #tpu.memory_space<vmem>>, vector<16xf32>,
    tpu.vector_store %arg5[%swap3A_29], %broadcast_in_dim3A_11 {strides = array<i32>} : memref<640xf32, #tpu.memory_space<vmem>>, vector<16xf32>,
    %swap3A_31 = arith.constant 160 : index
    %swap3A_32 = tpu.vector_load %arg5[%swap3A_31] {strides = array<i32>} : memref<640xf32, #tpu.memory_space<vmem>>, vector<16xf32>,
    tpu.vector_store %arg5[%swap3A_31], %broadcast_in_dim3A_11 {strides = array<i32>} : memref<640xf32, #tpu.memory_space<vmem>>, vector<16xf32>,
    %swap3A_33 = arith.constant 176 : index
    %swap3A_34 = tpu.vector_load %arg5[%swap3A_33] {strides = array<i32>} : memref<640xf32, #tpu.memory_space<vmem>>, vector<16xf32>,
    tpu.vector_store %arg5[%swap3A_33], %broadcast_in_dim3A_11 {strides = array<i32>} : memref<640xf32, #tpu.memory_space<vmem>>, vector<16xf32>,
    %swap3A_35 = arith.constant 192 : index
    %swap3A_36 = tpu.vector_load %arg5[%swap3A_35] {strides = array<i32>} : memref<640xf32, #tpu.memory_space<vmem>>, vector<16xf32>,
    tpu.vector_store %arg5[%swap3A_35], %broadcast_in_dim3A_11 {strides = array<i32>} : memref<640xf32, #tpu.memory_space<vmem>>, vector<16xf32>,
    %swap3A_37 = arith.constant 208 : index
    %swap3A_38 = tpu.vector_load %arg5[%swap3A_37] {strides = array<i32>} : memref<640xf32, #tpu.memory_space<vmem>>, vector<16xf32>,
    tpu.vector_store %arg5[%swap3A_37], %broadcast_in_dim3A_11 {strides = array<i32>} : memref<640xf32, #tpu.memory_space<vmem>>, vector<16xf32>,
    %swap3A_39 = arith.constant 224 : index
    %swap3A_40 = tpu.vector_load %arg5[%swap3A_39] {strides = array<i32>} : memref<640xf32, #tpu.memory_space<vmem>>, vector<16xf32>,
    tpu.vector_store %arg5[%swap3A_39], %broadcast_in_dim3A_11 {strides = array<i32>} : memref<640xf32, #tpu.memory_space<vmem>>, vector<16xf32>,
    %swap3A_41 = arith.constant 240 : index
    %swap3A_42 = tpu.vector_load %arg5[%swap3A_41] {strides = array<i32>} : memref<640xf32, #tpu.memory_space<vmem>>, vector<16xf32>,
    tpu.vector_store %arg5[%swap3A_41], %broadcast_in_dim3A_11 {strides = array<i32>} : memref<640xf32, #tpu.memory_space<vmem>>, vector<16xf32>,
    %swap3A_43 = arith.constant 256 : index
    %swap3A_44 = tpu.vector_load %arg5[%swap3A_43] {strides = array<i32>} : memref<640xf32, #tpu.memory_space<vmem>>, vector<16xf32>,
    tpu.vector_store %arg5[%swap3A_43], %broadcast_in_dim3A_11 {strides = array<i32>} : memref<640xf32, #tpu.memory_space<vmem>>, vector<16xf32>,
    %swap3A_45 = arith.constant 272 : index
    %swap3A_46 = tpu.vector_load %arg5[%swap3A_45] {strides = array<i32>} : memref<640xf32, #tpu.memory_space<vmem>>, vector<16xf32>,
    tpu.vector_store %arg5[%swap3A_45], %broadcast_in_dim3A_11 {strides = array<i32>} : memref<640xf32, #tpu.memory_space<vmem>>, vector<16xf32>,
    %swap3A_47 = arith.constant 288 : index
    %swap3A_48 = tpu.vector_load %arg5[%swap3A_47] {strides = array<i32>} : memref<640xf32, #tpu.memory_space<vmem>>, vector<16xf32>,
    tpu.vector_store %arg5[%swap3A_47], %broadcast_in_dim3A_11 {strides = array<i32>} : memref<640xf32, #tpu.memory_space<vmem>>, vector<16xf32>,
    %swap3A_49 = arith.constant 304 : index
    %swap3A_50 = tpu.vector_load %arg5[%swap3A_49] {strides = array<i32>} : memref<640xf32, #tpu.memory_space<vmem>>, vector<16xf32>,
    tpu.vector_store %arg5[%swap3A_49], %broadcast_in_dim3A_11 {strides = array<i32>} : memref<640xf32, #tpu.memory_space<vmem>>, vector<16xf32>,
    %swap3A_51 = arith.constant 320 : index
    %swap3A_52 = tpu.vector_load %arg5[%swap3A_51] {strides = array<i32>} : memref<640xf32, #tpu.memory_space<vmem>>, vector<16xf32>,
    tpu.vector_store %arg5[%swap3A_51], %broadcast_in_dim3A_11 {strides = array<i32>} : memref<640xf32, #tpu.memory_space<vmem>>, vector<16xf32>,
    %swap3A_53 = arith.constant 336 : index
    %swap3A_54 = tpu.vector_load %arg5[%swap3A_53] {strides = array<i32>} : memref<640xf32, #tpu.memory_space<vmem>>, vector<16xf32>,
    tpu.vector_store %arg5[%swap3A_53], %broadcast_in_dim3A_11 {strides = array<i32>} : memref<640xf32, #tpu.memory_space<vmem>>, vector<16xf32>,
    %swap3A_55 = arith.constant 352 : index
    %swap3A_56 = tpu.vector_load %arg5[%swap3A_55] {strides = array<i32>} : memref<640xf32, #tpu.memory_space<vmem>>, vector<16xf32>,
    tpu.vector_store %arg5[%swap3A_55], %broadcast_in_dim3A_11 {strides = array<i32>} : memref<640xf32, #tpu.memory_space<vmem>>, vector<16xf32>,
    %swap3A_57 = arith.constant 368 : index
    %swap3A_58 = tpu.vector_load %arg5[%swap3A_57] {strides = array<i32>} : memref<640xf32, #tpu.memory_space<vmem>>, vector<16xf32>,
    tpu.vector_store %arg5[%swap3A_57], %broadcast_in_dim3A_11 {strides = array<i32>} : memref<640xf32, #tpu.memory_space<vmem>>, vector<16xf32>,
    %swap3A_59 = arith.constant 384 : index
    %swap3A_60 = tpu.vector_load %arg5[%swap3A_59] {strides = array<i32>} : memref<640xf32, #tpu.memory_space<vmem>>, vector<16xf32>,
    tpu.vector_store %arg5[%swap3A_59], %broadcast_in_dim3A_11 {strides = array<i32>} : memref<640xf32, #tpu.memory_space<vmem>>, vector<16xf32>,
    %swap3A_61 = arith.constant 400 : index
    %swap3A_62 = tpu.vector_load %arg5[%swap3A_61] {strides = array<i32>} : memref<640xf32, #tpu.memory_space<vmem>>, vector<16xf32>,
    tpu.vector_store %arg5[%swap3A_61], %broadcast_in_dim3A_11 {strides = array<i32>} : memref<640xf32, #tpu.memory_space<vmem>>, vector<16xf32>,
    %swap3A_63 = arith.constant 416 : index
    %swap3A_64 = tpu.vector_load %arg5[%swap3A_63] {strides = array<i32>} : memref<640xf32, #tpu.memory_space<vmem>>, vector<16xf32>,
    tpu.vector_store %arg5[%swap3A_63], %broadcast_in_dim3A_11 {strides = array<i32>} : memref<640xf32, #tpu.memory_space<vmem>>, vector<16xf32>,
    %swap3A_65 = arith.constant 432 : index
    %swap3A_66 = tpu.vector_load %arg5[%swap3A_65] {strides = array<i32>} : memref<640xf32, #tpu.memory_space<vmem>>, vector<16xf32>,
    tpu.vector_store %arg5[%swap3A_65], %broadcast_in_dim3A_11 {strides = array<i32>} : memref<640xf32, #tpu.memory_space<vmem>>, vector<16xf32>,
    %swap3A_67 = arith.constant 448 : index
    %swap3A_68 = tpu.vector_load %arg5[%swap3A_67] {strides = array<i32>} : memref<640xf32, #tpu.memory_space<vmem>>, vector<16xf32>,
    tpu.vector_store %arg5[%swap3A_67], %broadcast_in_dim3A_11 {strides = array<i32>} : memref<640xf32, #tpu.memory_space<vmem>>, vector<16xf32>,
    %swap3A_69 = arith.constant 464 : index
    %swap3A_70 = tpu.vector_load %arg5[%swap3A_69] {strides = array<i32>} : memref<640xf32, #tpu.memory_space<vmem>>, vector<16xf32>,
    tpu.vector_store %arg5[%swap3A_69], %broadcast_in_dim3A_11 {strides = array<i32>} : memref<640xf32, #tpu.memory_space<vmem>>, vector<16xf32>,
    %swap3A_71 = arith.constant 480 : index
    %swap3A_72 = tpu.vector_load %arg5[%swap3A_71] {strides = array<i32>} : memref<640xf32, #tpu.memory_space<vmem>>, vector<16xf32>,
    tpu.vector_store %arg5[%swap3A_71], %broadcast_in_dim3A_11 {strides = array<i32>} : memref<640xf32, #tpu.memory_space<vmem>>, vector<16xf32>,
    %swap3A_73 = arith.constant 496 : index
    %swap3A_74 = tpu.vector_load %arg5[%swap3A_73] {strides = array<i32>} : memref<640xf32, #tpu.memory_space<vmem>>, vector<16xf32>,
    tpu.vector_store %arg5[%swap3A_73], %broadcast_in_dim3A_11 {strides = array<i32>} : memref<640xf32, #tpu.memory_space<vmem>>, vector<16xf32>,
    %swap3A_75 = arith.constant 512 : index
    %swap3A_76 = tpu.vector_load %arg5[%swap3A_75] {strides = array<i32>} : memref<640xf32, #tpu.memory_space<vmem>>, vector<16xf32>,
    tpu.vector_store %arg5[%swap3A_75], %broadcast_in_dim3A_11 {strides = array<i32>} : memref<640xf32, #tpu.memory_space<vmem>>, vector<16xf32>,
    %swap3A_77 = arith.constant 528 : index
    %swap3A_78 = tpu.vector_load %arg5[%swap3A_77] {strides = array<i32>} : memref<640xf32, #tpu.memory_space<vmem>>, vector<16xf32>,
    tpu.vector_store %arg5[%swap3A_77], %broadcast_in_dim3A_11 {strides = array<i32>} : memref<640xf32, #tpu.memory_space<vmem>>, vector<16xf32>,
    %swap3A_79 = arith.constant 544 : index
    %swap3A_80 = tpu.vector_load %arg5[%swap3A_79] {strides = array<i32>} : memref<640xf32, #tpu.memory_space<vmem>>, vector<16xf32>,
    tpu.vector_store %arg5[%swap3A_79], %broadcast_in_dim3A_11 {strides = array<i32>} : memref<640xf32, #tpu.memory_space<vmem>>, vector<16xf32>,
    %swap3A_81 = arith.constant 560 : index
    %swap3A_82 = tpu.vector_load %arg5[%swap3A_81] {strides = array<i32>} : memref<640xf32, #tpu.memory_space<vmem>>, vector<16xf32>,
    tpu.vector_store %arg5[%swap3A_81], %broadcast_in_dim3A_11 {strides = array<i32>} : memref<640xf32, #tpu.memory_space<vmem>>, vector<16xf32>,
    %swap3A_83 = arith.constant 576 : index
    %swap3A_84 = tpu.vector_load %arg5[%swap3A_83] {strides = array<i32>} : memref<640xf32, #tpu.memory_space<vmem>>, vector<16xf32>,
    tpu.vector_store %arg5[%swap3A_83], %broadcast_in_dim3A_11 {strides = array<i32>} : memref<640xf32, #tpu.memory_space<vmem>>, vector<16xf32>,
    %swap3A_85 = arith.constant 592 : index
    %swap3A_86 = tpu.vector_load %arg5[%swap3A_85] {strides = array<i32>} : memref<640xf32, #tpu.memory_space<vmem>>, vector<16xf32>,
    tpu.vector_store %arg5[%swap3A_85], %broadcast_in_dim3A_11 {strides = array<i32>} : memref<640xf32, #tpu.memory_space<vmem>>, vector<16xf32>,
    %swap3A_87 = arith.constant 608 : index
    %swap3A_88 = tpu.vector_load %arg5[%swap3A_87] {strides = array<i32>} : memref<640xf32, #tpu.memory_space<vmem>>, vector<16xf32>,
    tpu.vector_store %arg5[%swap3A_87], %broadcast_in_dim3A_11 {strides = array<i32>} : memref<640xf32, #tpu.memory_space<vmem>>, vector<16xf32>,
    %swap3A_89 = arith.constant 624 : index
    %swap3A_90 = tpu.vector_load %arg5[%swap3A_89] {strides = array<i32>} : memref<640xf32, #tpu.memory_space<vmem>>, vector<16xf32>,
    tpu.vector_store %arg5[%swap3A_89], %broadcast_in_dim3A_11 {strides = array<i32>} : memref<640xf32, #tpu.memory_space<vmem>>, vector<16xf32>,
    "tpu.region"() ({
      %run_scoped3A = tpu.sem_alloc : memref<!tpu.dma_semaphore, #tpu.memory_space<semaphore_mem>>
      tpu.enqueue_dma source(%arg2 : memref<512xi32, #tpu.memory_space<hbm>>) target(%arg6 : memref<512xi32, #tpu.memory_space<vmem>>) target_semaphore(%run_scoped3A : memref<!tpu.dma_semaphore, #tpu.memory_space<semaphore_mem>>)
      tpu.wait_dma2 semaphore(%run_scoped3A : memref<!tpu.dma_semaphore, #tpu.memory_space<semaphore_mem>>) src(%arg2 : memref<512xi32, #tpu.memory_space<hbm>>) dst(%arg6 : memref<512xi32, #tpu.memory_space<vmem>>)
      tpu.yield
    }) : () -> ()
    "tpu.region"() ({
      %run_scoped3A = tpu.sem_alloc : memref<!tpu.dma_semaphore, #tpu.memory_space<semaphore_mem>>
      tpu.enqueue_dma source(%arg3 : memref<512xf32, #tpu.memory_space<hbm>>) target(%arg7 : memref<512xf32, #tpu.memory_space<vmem>>) target_semaphore(%run_scoped3A : memref<!tpu.dma_semaphore, #tpu.memory_space<semaphore_mem>>)
      tpu.wait_dma2 semaphore(%run_scoped3A : memref<!tpu.dma_semaphore, #tpu.memory_space<semaphore_mem>>) src(%arg3 : memref<512xf32, #tpu.memory_space<hbm>>) dst(%arg7 : memref<512xf32, #tpu.memory_space<vmem>>)
      tpu.yield
    }) : () -> ()
    %get3A = arith.constant 0 : index
    %get3A_91 = tpu.vector_load %arg6[%get3A] {strides = array<i32>} : memref<512xi32, #tpu.memory_space<vmem>>, vector<16xi32>,
    %get3A_92 = arith.constant 0 : index
    %get3A_93 = tpu.vector_load %arg7[%get3A_92] {strides = array<i32>} : memref<512xf32, #tpu.memory_space<vmem>>, vector<16xf32>,
    %ge3A = vector.broadcast %select_n3A : i32 to vector<16xi32>
    %ge3A_94 = arith.cmpi sge, %get3A_91, %ge3A : vector<16xi32>
    %add3A_95 = arith.addi %select_n3A, %select_n3A_10 : i32
    %lt3A_96 = vector.broadcast %add3A_95 : i32 to vector<16xi32>
    %lt3A_97 = arith.cmpi slt, %get3A_91, %lt3A_96 : vector<16xi32>
    %and3A = arith.andi %ge3A_94, %lt3A_97 : vector<16xi1>
    %sub3A_98 = vector.broadcast %select_n3A : i32 to vector<16xi32>
    %sub3A_99 = arith.subi %get3A_91, %sub3A_98 : vector<16xi32>
    %jit3A_100 = arith.constant 0 : i32
    %broadcast_in_dim3A_101 = vector.broadcast %jit3A_100 : i32 to vector<16xi32>
    %select_n3A_102 = arith.select %and3A, %sub3A_99, %broadcast_in_dim3A_101 : vector<16xi1>, vector<16xi32>
    tpu.vector_store_idx %arg5[%select_n3A_102], %get3A_93 masked %and3A : memref<640xf32, #tpu.memory_space<vmem>>[vector<16xi32>], vector<16xf32>, vector<16xi1>
    %get3A_103 = arith.constant 16 : index
    %get3A_104 = tpu.vector_load %arg6[%get3A_103] {strides = array<i32>} : memref<512xi32, #tpu.memory_space<vmem>>, vector<16xi32>,
    %get3A_105 = arith.constant 16 : index
    %get3A_106 = tpu.vector_load %arg7[%get3A_105] {strides = array<i32>} : memref<512xf32, #tpu.memory_space<vmem>>, vector<16xf32>,
    %ge3A_107 = vector.broadcast %select_n3A : i32 to vector<16xi32>
    %ge3A_108 = arith.cmpi sge, %get3A_104, %ge3A_107 : vector<16xi32>
    %add3A_109 = arith.addi %select_n3A, %select_n3A_10 : i32
    %lt3A_110 = vector.broadcast %add3A_109 : i32 to vector<16xi32>
    %lt3A_111 = arith.cmpi slt, %get3A_104, %lt3A_110 : vector<16xi32>
    %and3A_112 = arith.andi %ge3A_108, %lt3A_111 : vector<16xi1>
    %sub3A_113 = vector.broadcast %select_n3A : i32 to vector<16xi32>
    %sub3A_114 = arith.subi %get3A_104, %sub3A_113 : vector<16xi32>
    %jit3A_115 = arith.constant 0 : i32
    %broadcast_in_dim3A_116 = vector.broadcast %jit3A_115 : i32 to vector<16xi32>
    %select_n3A_117 = arith.select %and3A_112, %sub3A_114, %broadcast_in_dim3A_116 : vector<16xi1>, vector<16xi32>
    tpu.vector_store_idx %arg5[%select_n3A_117], %get3A_106 masked %and3A_112 : memref<640xf32, #tpu.memory_space<vmem>>[vector<16xi32>], vector<16xf32>, vector<16xi1>
    %get3A_118 = arith.constant 32 : index
    %get3A_119 = tpu.vector_load %arg6[%get3A_118] {strides = array<i32>} : memref<512xi32, #tpu.memory_space<vmem>>, vector<16xi32>,
    %get3A_120 = arith.constant 32 : index
    %get3A_121 = tpu.vector_load %arg7[%get3A_120] {strides = array<i32>} : memref<512xf32, #tpu.memory_space<vmem>>, vector<16xf32>,
    %ge3A_122 = vector.broadcast %select_n3A : i32 to vector<16xi32>
    %ge3A_123 = arith.cmpi sge, %get3A_119, %ge3A_122 : vector<16xi32>
    %add3A_124 = arith.addi %select_n3A, %select_n3A_10 : i32
    %lt3A_125 = vector.broadcast %add3A_124 : i32 to vector<16xi32>
    %lt3A_126 = arith.cmpi slt, %get3A_119, %lt3A_125 : vector<16xi32>
    %and3A_127 = arith.andi %ge3A_123, %lt3A_126 : vector<16xi1>
    %sub3A_128 = vector.broadcast %select_n3A : i32 to vector<16xi32>
    %sub3A_129 = arith.subi %get3A_119, %sub3A_128 : vector<16xi32>
    %jit3A_130 = arith.constant 0 : i32
    %broadcast_in_dim3A_131 = vector.broadcast %jit3A_130 : i32 to vector<16xi32>
    %select_n3A_132 = arith.select %and3A_127, %sub3A_129, %broadcast_in_dim3A_131 : vector<16xi1>, vector<16xi32>
    tpu.vector_store_idx %arg5[%select_n3A_132], %get3A_121 masked %and3A_127 : memref<640xf32, #tpu.memory_space<vmem>>[vector<16xi32>], vector<16xf32>, vector<16xi1>
    %get3A_133 = arith.constant 48 : index
    %get3A_134 = tpu.vector_load %arg6[%get3A_133] {strides = array<i32>} : memref<512xi32, #tpu.memory_space<vmem>>, vector<16xi32>,
    %get3A_135 = arith.constant 48 : index
    %get3A_136 = tpu.vector_load %arg7[%get3A_135] {strides = array<i32>} : memref<512xf32, #tpu.memory_space<vmem>>, vector<16xf32>,
    %ge3A_137 = vector.broadcast %select_n3A : i32 to vector<16xi32>
    %ge3A_138 = arith.cmpi sge, %get3A_134, %ge3A_137 : vector<16xi32>
    %add3A_139 = arith.addi %select_n3A, %select_n3A_10 : i32
    %lt3A_140 = vector.broadcast %add3A_139 : i32 to vector<16xi32>
    %lt3A_141 = arith.cmpi slt, %get3A_134, %lt3A_140 : vector<16xi32>
    %and3A_142 = arith.andi %ge3A_138, %lt3A_141 : vector<16xi1>
    %sub3A_143 = vector.broadcast %select_n3A : i32 to vector<16xi32>
    %sub3A_144 = arith.subi %get3A_134, %sub3A_143 : vector<16xi32>
    %jit3A_145 = arith.constant 0 : i32
    %broadcast_in_dim3A_146 = vector.broadcast %jit3A_145 : i32 to vector<16xi32>
    %select_n3A_147 = arith.select %and3A_142, %sub3A_144, %broadcast_in_dim3A_146 : vector<16xi1>, vector<16xi32>
    tpu.vector_store_idx %arg5[%select_n3A_147], %get3A_136 masked %and3A_142 : memref<640xf32, #tpu.memory_space<vmem>>[vector<16xi32>], vector<16xf32>, vector<16xi1>
    %get3A_148 = arith.constant 64 : index
    %get3A_149 = tpu.vector_load %arg6[%get3A_148] {strides = array<i32>} : memref<512xi32, #tpu.memory_space<vmem>>, vector<16xi32>,
    %get3A_150 = arith.constant 64 : index
    %get3A_151 = tpu.vector_load %arg7[%get3A_150] {strides = array<i32>} : memref<512xf32, #tpu.memory_space<vmem>>, vector<16xf32>,
    %ge3A_152 = vector.broadcast %select_n3A : i32 to vector<16xi32>
    %ge3A_153 = arith.cmpi sge, %get3A_149, %ge3A_152 : vector<16xi32>
    %add3A_154 = arith.addi %select_n3A, %select_n3A_10 : i32
    %lt3A_155 = vector.broadcast %add3A_154 : i32 to vector<16xi32>
    %lt3A_156 = arith.cmpi slt, %get3A_149, %lt3A_155 : vector<16xi32>
    %and3A_157 = arith.andi %ge3A_153, %lt3A_156 : vector<16xi1>
    %sub3A_158 = vector.broadcast %select_n3A : i32 to vector<16xi32>
    %sub3A_159 = arith.subi %get3A_149, %sub3A_158 : vector<16xi32>
    %jit3A_160 = arith.constant 0 : i32
    %broadcast_in_dim3A_161 = vector.broadcast %jit3A_160 : i32 to vector<16xi32>
    %select_n3A_162 = arith.select %and3A_157, %sub3A_159, %broadcast_in_dim3A_161 : vector<16xi1>, vector<16xi32>
    tpu.vector_store_idx %arg5[%select_n3A_162], %get3A_151 masked %and3A_157 : memref<640xf32, #tpu.memory_space<vmem>>[vector<16xi32>], vector<16xf32>, vector<16xi1>
    %get3A_163 = arith.constant 80 : index
    %get3A_164 = tpu.vector_load %arg6[%get3A_163] {strides = array<i32>} : memref<512xi32, #tpu.memory_space<vmem>>, vector<16xi32>,
    %get3A_165 = arith.constant 80 : index
    %get3A_166 = tpu.vector_load %arg7[%get3A_165] {strides = array<i32>} : memref<512xf32, #tpu.memory_space<vmem>>, vector<16xf32>,
    %ge3A_167 = vector.broadcast %select_n3A : i32 to vector<16xi32>
    %ge3A_168 = arith.cmpi sge, %get3A_164, %ge3A_167 : vector<16xi32>
    %add3A_169 = arith.addi %select_n3A, %select_n3A_10 : i32
    %lt3A_170 = vector.broadcast %add3A_169 : i32 to vector<16xi32>
    %lt3A_171 = arith.cmpi slt, %get3A_164, %lt3A_170 : vector<16xi32>
    %and3A_172 = arith.andi %ge3A_168, %lt3A_171 : vector<16xi1>
    %sub3A_173 = vector.broadcast %select_n3A : i32 to vector<16xi32>
    %sub3A_174 = arith.subi %get3A_164, %sub3A_173 : vector<16xi32>
    %jit3A_175 = arith.constant 0 : i32
    %broadcast_in_dim3A_176 = vector.broadcast %jit3A_175 : i32 to vector<16xi32>
    %select_n3A_177 = arith.select %and3A_172, %sub3A_174, %broadcast_in_dim3A_176 : vector<16xi1>, vector<16xi32>
    tpu.vector_store_idx %arg5[%select_n3A_177], %get3A_166 masked %and3A_172 : memref<640xf32, #tpu.memory_space<vmem>>[vector<16xi32>], vector<16xf32>, vector<16xi1>
    %get3A_178 = arith.constant 96 : index
    %get3A_179 = tpu.vector_load %arg6[%get3A_178] {strides = array<i32>} : memref<512xi32, #tpu.memory_space<vmem>>, vector<16xi32>,
    %get3A_180 = arith.constant 96 : index
    %get3A_181 = tpu.vector_load %arg7[%get3A_180] {strides = array<i32>} : memref<512xf32, #tpu.memory_space<vmem>>, vector<16xf32>,
    %ge3A_182 = vector.broadcast %select_n3A : i32 to vector<16xi32>
    %ge3A_183 = arith.cmpi sge, %get3A_179, %ge3A_182 : vector<16xi32>
    %add3A_184 = arith.addi %select_n3A, %select_n3A_10 : i32
    %lt3A_185 = vector.broadcast %add3A_184 : i32 to vector<16xi32>
    %lt3A_186 = arith.cmpi slt, %get3A_179, %lt3A_185 : vector<16xi32>
    %and3A_187 = arith.andi %ge3A_183, %lt3A_186 : vector<16xi1>
    %sub3A_188 = vector.broadcast %select_n3A : i32 to vector<16xi32>
    %sub3A_189 = arith.subi %get3A_179, %sub3A_188 : vector<16xi32>
    %jit3A_190 = arith.constant 0 : i32
    %broadcast_in_dim3A_191 = vector.broadcast %jit3A_190 : i32 to vector<16xi32>
    %select_n3A_192 = arith.select %and3A_187, %sub3A_189, %broadcast_in_dim3A_191 : vector<16xi1>, vector<16xi32>
    tpu.vector_store_idx %arg5[%select_n3A_192], %get3A_181 masked %and3A_187 : memref<640xf32, #tpu.memory_space<vmem>>[vector<16xi32>], vector<16xf32>, vector<16xi1>
    %get3A_193 = arith.constant 112 : index
    %get3A_194 = tpu.vector_load %arg6[%get3A_193] {strides = array<i32>} : memref<512xi32, #tpu.memory_space<vmem>>, vector<16xi32>,
    %get3A_195 = arith.constant 112 : index
    %get3A_196 = tpu.vector_load %arg7[%get3A_195] {strides = array<i32>} : memref<512xf32, #tpu.memory_space<vmem>>, vector<16xf32>,
    %ge3A_197 = vector.broadcast %select_n3A : i32 to vector<16xi32>
    %ge3A_198 = arith.cmpi sge, %get3A_194, %ge3A_197 : vector<16xi32>
    %add3A_199 = arith.addi %select_n3A, %select_n3A_10 : i32
    %lt3A_200 = vector.broadcast %add3A_199 : i32 to vector<16xi32>
    %lt3A_201 = arith.cmpi slt, %get3A_194, %lt3A_200 : vector<16xi32>
    %and3A_202 = arith.andi %ge3A_198, %lt3A_201 : vector<16xi1>
    %sub3A_203 = vector.broadcast %select_n3A : i32 to vector<16xi32>
    %sub3A_204 = arith.subi %get3A_194, %sub3A_203 : vector<16xi32>
    %jit3A_205 = arith.constant 0 : i32
    %broadcast_in_dim3A_206 = vector.broadcast %jit3A_205 : i32 to vector<16xi32>
    %select_n3A_207 = arith.select %and3A_202, %sub3A_204, %broadcast_in_dim3A_206 : vector<16xi1>, vector<16xi32>
    tpu.vector_store_idx %arg5[%select_n3A_207], %get3A_196 masked %and3A_202 : memref<640xf32, #tpu.memory_space<vmem>>[vector<16xi32>], vector<16xf32>, vector<16xi1>
    %get3A_208 = arith.constant 128 : index
    %get3A_209 = tpu.vector_load %arg6[%get3A_208] {strides = array<i32>} : memref<512xi32, #tpu.memory_space<vmem>>, vector<16xi32>,
    %get3A_210 = arith.constant 128 : index
    %get3A_211 = tpu.vector_load %arg7[%get3A_210] {strides = array<i32>} : memref<512xf32, #tpu.memory_space<vmem>>, vector<16xf32>,
    %ge3A_212 = vector.broadcast %select_n3A : i32 to vector<16xi32>
    %ge3A_213 = arith.cmpi sge, %get3A_209, %ge3A_212 : vector<16xi32>
    %add3A_214 = arith.addi %select_n3A, %select_n3A_10 : i32
    %lt3A_215 = vector.broadcast %add3A_214 : i32 to vector<16xi32>
    %lt3A_216 = arith.cmpi slt, %get3A_209, %lt3A_215 : vector<16xi32>
    %and3A_217 = arith.andi %ge3A_213, %lt3A_216 : vector<16xi1>
    %sub3A_218 = vector.broadcast %select_n3A : i32 to vector<16xi32>
    %sub3A_219 = arith.subi %get3A_209, %sub3A_218 : vector<16xi32>
    %jit3A_220 = arith.constant 0 : i32
    %broadcast_in_dim3A_221 = vector.broadcast %jit3A_220 : i32 to vector<16xi32>
    %select_n3A_222 = arith.select %and3A_217, %sub3A_219, %broadcast_in_dim3A_221 : vector<16xi1>, vector<16xi32>
    tpu.vector_store_idx %arg5[%select_n3A_222], %get3A_211 masked %and3A_217 : memref<640xf32, #tpu.memory_space<vmem>>[vector<16xi32>], vector<16xf32>, vector<16xi1>
    %get3A_223 = arith.constant 144 : index
    %get3A_224 = tpu.vector_load %arg6[%get3A_223] {strides = array<i32>} : memref<512xi32, #tpu.memory_space<vmem>>, vector<16xi32>,
    %get3A_225 = arith.constant 144 : index
    %get3A_226 = tpu.vector_load %arg7[%get3A_225] {strides = array<i32>} : memref<512xf32, #tpu.memory_space<vmem>>, vector<16xf32>,
    %ge3A_227 = vector.broadcast %select_n3A : i32 to vector<16xi32>
    %ge3A_228 = arith.cmpi sge, %get3A_224, %ge3A_227 : vector<16xi32>
    %add3A_229 = arith.addi %select_n3A, %select_n3A_10 : i32
    %lt3A_230 = vector.broadcast %add3A_229 : i32 to vector<16xi32>
    %lt3A_231 = arith.cmpi slt, %get3A_224, %lt3A_230 : vector<16xi32>
    %and3A_232 = arith.andi %ge3A_228, %lt3A_231 : vector<16xi1>
    %sub3A_233 = vector.broadcast %select_n3A : i32 to vector<16xi32>
    %sub3A_234 = arith.subi %get3A_224, %sub3A_233 : vector<16xi32>
    %jit3A_235 = arith.constant 0 : i32
    %broadcast_in_dim3A_236 = vector.broadcast %jit3A_235 : i32 to vector<16xi32>
    %select_n3A_237 = arith.select %and3A_232, %sub3A_234, %broadcast_in_dim3A_236 : vector<16xi1>, vector<16xi32>
    tpu.vector_store_idx %arg5[%select_n3A_237], %get3A_226 masked %and3A_232 : memref<640xf32, #tpu.memory_space<vmem>>[vector<16xi32>], vector<16xf32>, vector<16xi1>
    %get3A_238 = arith.constant 160 : index
    %get3A_239 = tpu.vector_load %arg6[%get3A_238] {strides = array<i32>} : memref<512xi32, #tpu.memory_space<vmem>>, vector<16xi32>,
    %get3A_240 = arith.constant 160 : index
    %get3A_241 = tpu.vector_load %arg7[%get3A_240] {strides = array<i32>} : memref<512xf32, #tpu.memory_space<vmem>>, vector<16xf32>,
    %ge3A_242 = vector.broadcast %select_n3A : i32 to vector<16xi32>
    %ge3A_243 = arith.cmpi sge, %get3A_239, %ge3A_242 : vector<16xi32>
    %add3A_244 = arith.addi %select_n3A, %select_n3A_10 : i32
    %lt3A_245 = vector.broadcast %add3A_244 : i32 to vector<16xi32>
    %lt3A_246 = arith.cmpi slt, %get3A_239, %lt3A_245 : vector<16xi32>
    %and3A_247 = arith.andi %ge3A_243, %lt3A_246 : vector<16xi1>
    %sub3A_248 = vector.broadcast %select_n3A : i32 to vector<16xi32>
    %sub3A_249 = arith.subi %get3A_239, %sub3A_248 : vector<16xi32>
    %jit3A_250 = arith.constant 0 : i32
    %broadcast_in_dim3A_251 = vector.broadcast %jit3A_250 : i32 to vector<16xi32>
    %select_n3A_252 = arith.select %and3A_247, %sub3A_249, %broadcast_in_dim3A_251 : vector<16xi1>, vector<16xi32>
    tpu.vector_store_idx %arg5[%select_n3A_252], %get3A_241 masked %and3A_247 : memref<640xf32, #tpu.memory_space<vmem>>[vector<16xi32>], vector<16xf32>, vector<16xi1>
    %get3A_253 = arith.constant 176 : index
    %get3A_254 = tpu.vector_load %arg6[%get3A_253] {strides = array<i32>} : memref<512xi32, #tpu.memory_space<vmem>>, vector<16xi32>,
    %get3A_255 = arith.constant 176 : index
    %get3A_256 = tpu.vector_load %arg7[%get3A_255] {strides = array<i32>} : memref<512xf32, #tpu.memory_space<vmem>>, vector<16xf32>,
    %ge3A_257 = vector.broadcast %select_n3A : i32 to vector<16xi32>
    %ge3A_258 = arith.cmpi sge, %get3A_254, %ge3A_257 : vector<16xi32>
    %add3A_259 = arith.addi %select_n3A, %select_n3A_10 : i32
    %lt3A_260 = vector.broadcast %add3A_259 : i32 to vector<16xi32>
    %lt3A_261 = arith.cmpi slt, %get3A_254, %lt3A_260 : vector<16xi32>
    %and3A_262 = arith.andi %ge3A_258, %lt3A_261 : vector<16xi1>
    %sub3A_263 = vector.broadcast %select_n3A : i32 to vector<16xi32>
    %sub3A_264 = arith.subi %get3A_254, %sub3A_263 : vector<16xi32>
    %jit3A_265 = arith.constant 0 : i32
    %broadcast_in_dim3A_266 = vector.broadcast %jit3A_265 : i32 to vector<16xi32>
    %select_n3A_267 = arith.select %and3A_262, %sub3A_264, %broadcast_in_dim3A_266 : vector<16xi1>, vector<16xi32>
    tpu.vector_store_idx %arg5[%select_n3A_267], %get3A_256 masked %and3A_262 : memref<640xf32, #tpu.memory_space<vmem>>[vector<16xi32>], vector<16xf32>, vector<16xi1>
    %get3A_268 = arith.constant 192 : index
    %get3A_269 = tpu.vector_load %arg6[%get3A_268] {strides = array<i32>} : memref<512xi32, #tpu.memory_space<vmem>>, vector<16xi32>,
    %get3A_270 = arith.constant 192 : index
    %get3A_271 = tpu.vector_load %arg7[%get3A_270] {strides = array<i32>} : memref<512xf32, #tpu.memory_space<vmem>>, vector<16xf32>,
    %ge3A_272 = vector.broadcast %select_n3A : i32 to vector<16xi32>
    %ge3A_273 = arith.cmpi sge, %get3A_269, %ge3A_272 : vector<16xi32>
    %add3A_274 = arith.addi %select_n3A, %select_n3A_10 : i32
    %lt3A_275 = vector.broadcast %add3A_274 : i32 to vector<16xi32>
    %lt3A_276 = arith.cmpi slt, %get3A_269, %lt3A_275 : vector<16xi32>
    %and3A_277 = arith.andi %ge3A_273, %lt3A_276 : vector<16xi1>
    %sub3A_278 = vector.broadcast %select_n3A : i32 to vector<16xi32>
    %sub3A_279 = arith.subi %get3A_269, %sub3A_278 : vector<16xi32>
    %jit3A_280 = arith.constant 0 : i32
    %broadcast_in_dim3A_281 = vector.broadcast %jit3A_280 : i32 to vector<16xi32>
    %select_n3A_282 = arith.select %and3A_277, %sub3A_279, %broadcast_in_dim3A_281 : vector<16xi1>, vector<16xi32>
    tpu.vector_store_idx %arg5[%select_n3A_282], %get3A_271 masked %and3A_277 : memref<640xf32, #tpu.memory_space<vmem>>[vector<16xi32>], vector<16xf32>, vector<16xi1>
    %get3A_283 = arith.constant 208 : index
    %get3A_284 = tpu.vector_load %arg6[%get3A_283] {strides = array<i32>} : memref<512xi32, #tpu.memory_space<vmem>>, vector<16xi32>,
    %get3A_285 = arith.constant 208 : index
    %get3A_286 = tpu.vector_load %arg7[%get3A_285] {strides = array<i32>} : memref<512xf32, #tpu.memory_space<vmem>>, vector<16xf32>,
    %ge3A_287 = vector.broadcast %select_n3A : i32 to vector<16xi32>
    %ge3A_288 = arith.cmpi sge, %get3A_284, %ge3A_287 : vector<16xi32>
    %add3A_289 = arith.addi %select_n3A, %select_n3A_10 : i32
    %lt3A_290 = vector.broadcast %add3A_289 : i32 to vector<16xi32>
    %lt3A_291 = arith.cmpi slt, %get3A_284, %lt3A_290 : vector<16xi32>
    %and3A_292 = arith.andi %ge3A_288, %lt3A_291 : vector<16xi1>
    %sub3A_293 = vector.broadcast %select_n3A : i32 to vector<16xi32>
    %sub3A_294 = arith.subi %get3A_284, %sub3A_293 : vector<16xi32>
    %jit3A_295 = arith.constant 0 : i32
    %broadcast_in_dim3A_296 = vector.broadcast %jit3A_295 : i32 to vector<16xi32>
    %select_n3A_297 = arith.select %and3A_292, %sub3A_294, %broadcast_in_dim3A_296 : vector<16xi1>, vector<16xi32>
    tpu.vector_store_idx %arg5[%select_n3A_297], %get3A_286 masked %and3A_292 : memref<640xf32, #tpu.memory_space<vmem>>[vector<16xi32>], vector<16xf32>, vector<16xi1>
    %get3A_298 = arith.constant 224 : index
    %get3A_299 = tpu.vector_load %arg6[%get3A_298] {strides = array<i32>} : memref<512xi32, #tpu.memory_space<vmem>>, vector<16xi32>,
    %get3A_300 = arith.constant 224 : index
    %get3A_301 = tpu.vector_load %arg7[%get3A_300] {strides = array<i32>} : memref<512xf32, #tpu.memory_space<vmem>>, vector<16xf32>,
    %ge3A_302 = vector.broadcast %select_n3A : i32 to vector<16xi32>
    %ge3A_303 = arith.cmpi sge, %get3A_299, %ge3A_302 : vector<16xi32>
    %add3A_304 = arith.addi %select_n3A, %select_n3A_10 : i32
    %lt3A_305 = vector.broadcast %add3A_304 : i32 to vector<16xi32>
    %lt3A_306 = arith.cmpi slt, %get3A_299, %lt3A_305 : vector<16xi32>
    %and3A_307 = arith.andi %ge3A_303, %lt3A_306 : vector<16xi1>
    %sub3A_308 = vector.broadcast %select_n3A : i32 to vector<16xi32>
    %sub3A_309 = arith.subi %get3A_299, %sub3A_308 : vector<16xi32>
    %jit3A_310 = arith.constant 0 : i32
    %broadcast_in_dim3A_311 = vector.broadcast %jit3A_310 : i32 to vector<16xi32>
    %select_n3A_312 = arith.select %and3A_307, %sub3A_309, %broadcast_in_dim3A_311 : vector<16xi1>, vector<16xi32>
    tpu.vector_store_idx %arg5[%select_n3A_312], %get3A_301 masked %and3A_307 : memref<640xf32, #tpu.memory_space<vmem>>[vector<16xi32>], vector<16xf32>, vector<16xi1>
    %get3A_313 = arith.constant 240 : index
    %get3A_314 = tpu.vector_load %arg6[%get3A_313] {strides = array<i32>} : memref<512xi32, #tpu.memory_space<vmem>>, vector<16xi32>,
    %get3A_315 = arith.constant 240 : index
    %get3A_316 = tpu.vector_load %arg7[%get3A_315] {strides = array<i32>} : memref<512xf32, #tpu.memory_space<vmem>>, vector<16xf32>,
    %ge3A_317 = vector.broadcast %select_n3A : i32 to vector<16xi32>
    %ge3A_318 = arith.cmpi sge, %get3A_314, %ge3A_317 : vector<16xi32>
    %add3A_319 = arith.addi %select_n3A, %select_n3A_10 : i32
    %lt3A_320 = vector.broadcast %add3A_319 : i32 to vector<16xi32>
    %lt3A_321 = arith.cmpi slt, %get3A_314, %lt3A_320 : vector<16xi32>
    %and3A_322 = arith.andi %ge3A_318, %lt3A_321 : vector<16xi1>
    %sub3A_323 = vector.broadcast %select_n3A : i32 to vector<16xi32>
    %sub3A_324 = arith.subi %get3A_314, %sub3A_323 : vector<16xi32>
    %jit3A_325 = arith.constant 0 : i32
    %broadcast_in_dim3A_326 = vector.broadcast %jit3A_325 : i32 to vector<16xi32>
    %select_n3A_327 = arith.select %and3A_322, %sub3A_324, %broadcast_in_dim3A_326 : vector<16xi1>, vector<16xi32>
    tpu.vector_store_idx %arg5[%select_n3A_327], %get3A_316 masked %and3A_322 : memref<640xf32, #tpu.memory_space<vmem>>[vector<16xi32>], vector<16xf32>, vector<16xi1>
    %get3A_328 = arith.constant 256 : index
    %get3A_329 = tpu.vector_load %arg6[%get3A_328] {strides = array<i32>} : memref<512xi32, #tpu.memory_space<vmem>>, vector<16xi32>,
    %get3A_330 = arith.constant 256 : index
    %get3A_331 = tpu.vector_load %arg7[%get3A_330] {strides = array<i32>} : memref<512xf32, #tpu.memory_space<vmem>>, vector<16xf32>,
    %ge3A_332 = vector.broadcast %select_n3A : i32 to vector<16xi32>
    %ge3A_333 = arith.cmpi sge, %get3A_329, %ge3A_332 : vector<16xi32>
    %add3A_334 = arith.addi %select_n3A, %select_n3A_10 : i32
    %lt3A_335 = vector.broadcast %add3A_334 : i32 to vector<16xi32>
    %lt3A_336 = arith.cmpi slt, %get3A_329, %lt3A_335 : vector<16xi32>
    %and3A_337 = arith.andi %ge3A_333, %lt3A_336 : vector<16xi1>
    %sub3A_338 = vector.broadcast %select_n3A : i32 to vector<16xi32>
    %sub3A_339 = arith.subi %get3A_329, %sub3A_338 : vector<16xi32>
    %jit3A_340 = arith.constant 0 : i32
    %broadcast_in_dim3A_341 = vector.broadcast %jit3A_340 : i32 to vector<16xi32>
    %select_n3A_342 = arith.select %and3A_337, %sub3A_339, %broadcast_in_dim3A_341 : vector<16xi1>, vector<16xi32>
    tpu.vector_store_idx %arg5[%select_n3A_342], %get3A_331 masked %and3A_337 : memref<640xf32, #tpu.memory_space<vmem>>[vector<16xi32>], vector<16xf32>, vector<16xi1>
    %get3A_343 = arith.constant 272 : index
    %get3A_344 = tpu.vector_load %arg6[%get3A_343] {strides = array<i32>} : memref<512xi32, #tpu.memory_space<vmem>>, vector<16xi32>,
    %get3A_345 = arith.constant 272 : index
    %get3A_346 = tpu.vector_load %arg7[%get3A_345] {strides = array<i32>} : memref<512xf32, #tpu.memory_space<vmem>>, vector<16xf32>,
    %ge3A_347 = vector.broadcast %select_n3A : i32 to vector<16xi32>
    %ge3A_348 = arith.cmpi sge, %get3A_344, %ge3A_347 : vector<16xi32>
    %add3A_349 = arith.addi %select_n3A, %select_n3A_10 : i32
    %lt3A_350 = vector.broadcast %add3A_349 : i32 to vector<16xi32>
    %lt3A_351 = arith.cmpi slt, %get3A_344, %lt3A_350 : vector<16xi32>
    %and3A_352 = arith.andi %ge3A_348, %lt3A_351 : vector<16xi1>
    %sub3A_353 = vector.broadcast %select_n3A : i32 to vector<16xi32>
    %sub3A_354 = arith.subi %get3A_344, %sub3A_353 : vector<16xi32>
    %jit3A_355 = arith.constant 0 : i32
    %broadcast_in_dim3A_356 = vector.broadcast %jit3A_355 : i32 to vector<16xi32>
    %select_n3A_357 = arith.select %and3A_352, %sub3A_354, %broadcast_in_dim3A_356 : vector<16xi1>, vector<16xi32>
    tpu.vector_store_idx %arg5[%select_n3A_357], %get3A_346 masked %and3A_352 : memref<640xf32, #tpu.memory_space<vmem>>[vector<16xi32>], vector<16xf32>, vector<16xi1>
    %get3A_358 = arith.constant 288 : index
    %get3A_359 = tpu.vector_load %arg6[%get3A_358] {strides = array<i32>} : memref<512xi32, #tpu.memory_space<vmem>>, vector<16xi32>,
    %get3A_360 = arith.constant 288 : index
    %get3A_361 = tpu.vector_load %arg7[%get3A_360] {strides = array<i32>} : memref<512xf32, #tpu.memory_space<vmem>>, vector<16xf32>,
    %ge3A_362 = vector.broadcast %select_n3A : i32 to vector<16xi32>
    %ge3A_363 = arith.cmpi sge, %get3A_359, %ge3A_362 : vector<16xi32>
    %add3A_364 = arith.addi %select_n3A, %select_n3A_10 : i32
    %lt3A_365 = vector.broadcast %add3A_364 : i32 to vector<16xi32>
    %lt3A_366 = arith.cmpi slt, %get3A_359, %lt3A_365 : vector<16xi32>
    %and3A_367 = arith.andi %ge3A_363, %lt3A_366 : vector<16xi1>
    %sub3A_368 = vector.broadcast %select_n3A : i32 to vector<16xi32>
    %sub3A_369 = arith.subi %get3A_359, %sub3A_368 : vector<16xi32>
    %jit3A_370 = arith.constant 0 : i32
    %broadcast_in_dim3A_371 = vector.broadcast %jit3A_370 : i32 to vector<16xi32>
    %select_n3A_372 = arith.select %and3A_367, %sub3A_369, %broadcast_in_dim3A_371 : vector<16xi1>, vector<16xi32>
    tpu.vector_store_idx %arg5[%select_n3A_372], %get3A_361 masked %and3A_367 : memref<640xf32, #tpu.memory_space<vmem>>[vector<16xi32>], vector<16xf32>, vector<16xi1>
    %get3A_373 = arith.constant 304 : index
    %get3A_374 = tpu.vector_load %arg6[%get3A_373] {strides = array<i32>} : memref<512xi32, #tpu.memory_space<vmem>>, vector<16xi32>,
    %get3A_375 = arith.constant 304 : index
    %get3A_376 = tpu.vector_load %arg7[%get3A_375] {strides = array<i32>} : memref<512xf32, #tpu.memory_space<vmem>>, vector<16xf32>,
    %ge3A_377 = vector.broadcast %select_n3A : i32 to vector<16xi32>
    %ge3A_378 = arith.cmpi sge, %get3A_374, %ge3A_377 : vector<16xi32>
    %add3A_379 = arith.addi %select_n3A, %select_n3A_10 : i32
    %lt3A_380 = vector.broadcast %add3A_379 : i32 to vector<16xi32>
    %lt3A_381 = arith.cmpi slt, %get3A_374, %lt3A_380 : vector<16xi32>
    %and3A_382 = arith.andi %ge3A_378, %lt3A_381 : vector<16xi1>
    %sub3A_383 = vector.broadcast %select_n3A : i32 to vector<16xi32>
    %sub3A_384 = arith.subi %get3A_374, %sub3A_383 : vector<16xi32>
    %jit3A_385 = arith.constant 0 : i32
    %broadcast_in_dim3A_386 = vector.broadcast %jit3A_385 : i32 to vector<16xi32>
    %select_n3A_387 = arith.select %and3A_382, %sub3A_384, %broadcast_in_dim3A_386 : vector<16xi1>, vector<16xi32>
    tpu.vector_store_idx %arg5[%select_n3A_387], %get3A_376 masked %and3A_382 : memref<640xf32, #tpu.memory_space<vmem>>[vector<16xi32>], vector<16xf32>, vector<16xi1>
    %get3A_388 = arith.constant 320 : index
    %get3A_389 = tpu.vector_load %arg6[%get3A_388] {strides = array<i32>} : memref<512xi32, #tpu.memory_space<vmem>>, vector<16xi32>,
    %get3A_390 = arith.constant 320 : index
    %get3A_391 = tpu.vector_load %arg7[%get3A_390] {strides = array<i32>} : memref<512xf32, #tpu.memory_space<vmem>>, vector<16xf32>,
    %ge3A_392 = vector.broadcast %select_n3A : i32 to vector<16xi32>
    %ge3A_393 = arith.cmpi sge, %get3A_389, %ge3A_392 : vector<16xi32>
    %add3A_394 = arith.addi %select_n3A, %select_n3A_10 : i32
    %lt3A_395 = vector.broadcast %add3A_394 : i32 to vector<16xi32>
    %lt3A_396 = arith.cmpi slt, %get3A_389, %lt3A_395 : vector<16xi32>
    %and3A_397 = arith.andi %ge3A_393, %lt3A_396 : vector<16xi1>
    %sub3A_398 = vector.broadcast %select_n3A : i32 to vector<16xi32>
    %sub3A_399 = arith.subi %get3A_389, %sub3A_398 : vector<16xi32>
    %jit3A_400 = arith.constant 0 : i32
    %broadcast_in_dim3A_401 = vector.broadcast %jit3A_400 : i32 to vector<16xi32>
    %select_n3A_402 = arith.select %and3A_397, %sub3A_399, %broadcast_in_dim3A_401 : vector<16xi1>, vector<16xi32>
    tpu.vector_store_idx %arg5[%select_n3A_402], %get3A_391 masked %and3A_397 : memref<640xf32, #tpu.memory_space<vmem>>[vector<16xi32>], vector<16xf32>, vector<16xi1>
    %get3A_403 = arith.constant 336 : index
    %get3A_404 = tpu.vector_load %arg6[%get3A_403] {strides = array<i32>} : memref<512xi32, #tpu.memory_space<vmem>>, vector<16xi32>,
    %get3A_405 = arith.constant 336 : index
    %get3A_406 = tpu.vector_load %arg7[%get3A_405] {strides = array<i32>} : memref<512xf32, #tpu.memory_space<vmem>>, vector<16xf32>,
    %ge3A_407 = vector.broadcast %select_n3A : i32 to vector<16xi32>
    %ge3A_408 = arith.cmpi sge, %get3A_404, %ge3A_407 : vector<16xi32>
    %add3A_409 = arith.addi %select_n3A, %select_n3A_10 : i32
    %lt3A_410 = vector.broadcast %add3A_409 : i32 to vector<16xi32>
    %lt3A_411 = arith.cmpi slt, %get3A_404, %lt3A_410 : vector<16xi32>
    %and3A_412 = arith.andi %ge3A_408, %lt3A_411 : vector<16xi1>
    %sub3A_413 = vector.broadcast %select_n3A : i32 to vector<16xi32>
    %sub3A_414 = arith.subi %get3A_404, %sub3A_413 : vector<16xi32>
    %jit3A_415 = arith.constant 0 : i32
    %broadcast_in_dim3A_416 = vector.broadcast %jit3A_415 : i32 to vector<16xi32>
    %select_n3A_417 = arith.select %and3A_412, %sub3A_414, %broadcast_in_dim3A_416 : vector<16xi1>, vector<16xi32>
    tpu.vector_store_idx %arg5[%select_n3A_417], %get3A_406 masked %and3A_412 : memref<640xf32, #tpu.memory_space<vmem>>[vector<16xi32>], vector<16xf32>, vector<16xi1>
    %get3A_418 = arith.constant 352 : index
    %get3A_419 = tpu.vector_load %arg6[%get3A_418] {strides = array<i32>} : memref<512xi32, #tpu.memory_space<vmem>>, vector<16xi32>,
    %get3A_420 = arith.constant 352 : index
    %get3A_421 = tpu.vector_load %arg7[%get3A_420] {strides = array<i32>} : memref<512xf32, #tpu.memory_space<vmem>>, vector<16xf32>,
    %ge3A_422 = vector.broadcast %select_n3A : i32 to vector<16xi32>
    %ge3A_423 = arith.cmpi sge, %get3A_419, %ge3A_422 : vector<16xi32>
    %add3A_424 = arith.addi %select_n3A, %select_n3A_10 : i32
    %lt3A_425 = vector.broadcast %add3A_424 : i32 to vector<16xi32>
    %lt3A_426 = arith.cmpi slt, %get3A_419, %lt3A_425 : vector<16xi32>
    %and3A_427 = arith.andi %ge3A_423, %lt3A_426 : vector<16xi1>
    %sub3A_428 = vector.broadcast %select_n3A : i32 to vector<16xi32>
    %sub3A_429 = arith.subi %get3A_419, %sub3A_428 : vector<16xi32>
    %jit3A_430 = arith.constant 0 : i32
    %broadcast_in_dim3A_431 = vector.broadcast %jit3A_430 : i32 to vector<16xi32>
    %select_n3A_432 = arith.select %and3A_427, %sub3A_429, %broadcast_in_dim3A_431 : vector<16xi1>, vector<16xi32>
    tpu.vector_store_idx %arg5[%select_n3A_432], %get3A_421 masked %and3A_427 : memref<640xf32, #tpu.memory_space<vmem>>[vector<16xi32>], vector<16xf32>, vector<16xi1>
    %get3A_433 = arith.constant 368 : index
    %get3A_434 = tpu.vector_load %arg6[%get3A_433] {strides = array<i32>} : memref<512xi32, #tpu.memory_space<vmem>>, vector<16xi32>,
    %get3A_435 = arith.constant 368 : index
    %get3A_436 = tpu.vector_load %arg7[%get3A_435] {strides = array<i32>} : memref<512xf32, #tpu.memory_space<vmem>>, vector<16xf32>,
    %ge3A_437 = vector.broadcast %select_n3A : i32 to vector<16xi32>
    %ge3A_438 = arith.cmpi sge, %get3A_434, %ge3A_437 : vector<16xi32>
    %add3A_439 = arith.addi %select_n3A, %select_n3A_10 : i32
    %lt3A_440 = vector.broadcast %add3A_439 : i32 to vector<16xi32>
    %lt3A_441 = arith.cmpi slt, %get3A_434, %lt3A_440 : vector<16xi32>
    %and3A_442 = arith.andi %ge3A_438, %lt3A_441 : vector<16xi1>
    %sub3A_443 = vector.broadcast %select_n3A : i32 to vector<16xi32>
    %sub3A_444 = arith.subi %get3A_434, %sub3A_443 : vector<16xi32>
    %jit3A_445 = arith.constant 0 : i32
    %broadcast_in_dim3A_446 = vector.broadcast %jit3A_445 : i32 to vector<16xi32>
    %select_n3A_447 = arith.select %and3A_442, %sub3A_444, %broadcast_in_dim3A_446 : vector<16xi1>, vector<16xi32>
    tpu.vector_store_idx %arg5[%select_n3A_447], %get3A_436 masked %and3A_442 : memref<640xf32, #tpu.memory_space<vmem>>[vector<16xi32>], vector<16xf32>, vector<16xi1>
    %get3A_448 = arith.constant 384 : index
    %get3A_449 = tpu.vector_load %arg6[%get3A_448] {strides = array<i32>} : memref<512xi32, #tpu.memory_space<vmem>>, vector<16xi32>,
    %get3A_450 = arith.constant 384 : index
    %get3A_451 = tpu.vector_load %arg7[%get3A_450] {strides = array<i32>} : memref<512xf32, #tpu.memory_space<vmem>>, vector<16xf32>,
    %ge3A_452 = vector.broadcast %select_n3A : i32 to vector<16xi32>
    %ge3A_453 = arith.cmpi sge, %get3A_449, %ge3A_452 : vector<16xi32>
    %add3A_454 = arith.addi %select_n3A, %select_n3A_10 : i32
    %lt3A_455 = vector.broadcast %add3A_454 : i32 to vector<16xi32>
    %lt3A_456 = arith.cmpi slt, %get3A_449, %lt3A_455 : vector<16xi32>
    %and3A_457 = arith.andi %ge3A_453, %lt3A_456 : vector<16xi1>
    %sub3A_458 = vector.broadcast %select_n3A : i32 to vector<16xi32>
    %sub3A_459 = arith.subi %get3A_449, %sub3A_458 : vector<16xi32>
    %jit3A_460 = arith.constant 0 : i32
    %broadcast_in_dim3A_461 = vector.broadcast %jit3A_460 : i32 to vector<16xi32>
    %select_n3A_462 = arith.select %and3A_457, %sub3A_459, %broadcast_in_dim3A_461 : vector<16xi1>, vector<16xi32>
    tpu.vector_store_idx %arg5[%select_n3A_462], %get3A_451 masked %and3A_457 : memref<640xf32, #tpu.memory_space<vmem>>[vector<16xi32>], vector<16xf32>, vector<16xi1>
    %get3A_463 = arith.constant 400 : index
    %get3A_464 = tpu.vector_load %arg6[%get3A_463] {strides = array<i32>} : memref<512xi32, #tpu.memory_space<vmem>>, vector<16xi32>,
    %get3A_465 = arith.constant 400 : index
    %get3A_466 = tpu.vector_load %arg7[%get3A_465] {strides = array<i32>} : memref<512xf32, #tpu.memory_space<vmem>>, vector<16xf32>,
    %ge3A_467 = vector.broadcast %select_n3A : i32 to vector<16xi32>
    %ge3A_468 = arith.cmpi sge, %get3A_464, %ge3A_467 : vector<16xi32>
    %add3A_469 = arith.addi %select_n3A, %select_n3A_10 : i32
    %lt3A_470 = vector.broadcast %add3A_469 : i32 to vector<16xi32>
    %lt3A_471 = arith.cmpi slt, %get3A_464, %lt3A_470 : vector<16xi32>
    %and3A_472 = arith.andi %ge3A_468, %lt3A_471 : vector<16xi1>
    %sub3A_473 = vector.broadcast %select_n3A : i32 to vector<16xi32>
    %sub3A_474 = arith.subi %get3A_464, %sub3A_473 : vector<16xi32>
    %jit3A_475 = arith.constant 0 : i32
    %broadcast_in_dim3A_476 = vector.broadcast %jit3A_475 : i32 to vector<16xi32>
    %select_n3A_477 = arith.select %and3A_472, %sub3A_474, %broadcast_in_dim3A_476 : vector<16xi1>, vector<16xi32>
    tpu.vector_store_idx %arg5[%select_n3A_477], %get3A_466 masked %and3A_472 : memref<640xf32, #tpu.memory_space<vmem>>[vector<16xi32>], vector<16xf32>, vector<16xi1>
    %get3A_478 = arith.constant 416 : index
    %get3A_479 = tpu.vector_load %arg6[%get3A_478] {strides = array<i32>} : memref<512xi32, #tpu.memory_space<vmem>>, vector<16xi32>,
    %get3A_480 = arith.constant 416 : index
    %get3A_481 = tpu.vector_load %arg7[%get3A_480] {strides = array<i32>} : memref<512xf32, #tpu.memory_space<vmem>>, vector<16xf32>,
    %ge3A_482 = vector.broadcast %select_n3A : i32 to vector<16xi32>
    %ge3A_483 = arith.cmpi sge, %get3A_479, %ge3A_482 : vector<16xi32>
    %add3A_484 = arith.addi %select_n3A, %select_n3A_10 : i32
    %lt3A_485 = vector.broadcast %add3A_484 : i32 to vector<16xi32>
    %lt3A_486 = arith.cmpi slt, %get3A_479, %lt3A_485 : vector<16xi32>
    %and3A_487 = arith.andi %ge3A_483, %lt3A_486 : vector<16xi1>
    %sub3A_488 = vector.broadcast %select_n3A : i32 to vector<16xi32>
    %sub3A_489 = arith.subi %get3A_479, %sub3A_488 : vector<16xi32>
    %jit3A_490 = arith.constant 0 : i32
    %broadcast_in_dim3A_491 = vector.broadcast %jit3A_490 : i32 to vector<16xi32>
    %select_n3A_492 = arith.select %and3A_487, %sub3A_489, %broadcast_in_dim3A_491 : vector<16xi1>, vector<16xi32>
    tpu.vector_store_idx %arg5[%select_n3A_492], %get3A_481 masked %and3A_487 : memref<640xf32, #tpu.memory_space<vmem>>[vector<16xi32>], vector<16xf32>, vector<16xi1>
    %get3A_493 = arith.constant 432 : index
    %get3A_494 = tpu.vector_load %arg6[%get3A_493] {strides = array<i32>} : memref<512xi32, #tpu.memory_space<vmem>>, vector<16xi32>,
    %get3A_495 = arith.constant 432 : index
    %get3A_496 = tpu.vector_load %arg7[%get3A_495] {strides = array<i32>} : memref<512xf32, #tpu.memory_space<vmem>>, vector<16xf32>,
    %ge3A_497 = vector.broadcast %select_n3A : i32 to vector<16xi32>
    %ge3A_498 = arith.cmpi sge, %get3A_494, %ge3A_497 : vector<16xi32>
    %add3A_499 = arith.addi %select_n3A, %select_n3A_10 : i32
    %lt3A_500 = vector.broadcast %add3A_499 : i32 to vector<16xi32>
    %lt3A_501 = arith.cmpi slt, %get3A_494, %lt3A_500 : vector<16xi32>
    %and3A_502 = arith.andi %ge3A_498, %lt3A_501 : vector<16xi1>
    %sub3A_503 = vector.broadcast %select_n3A : i32 to vector<16xi32>
    %sub3A_504 = arith.subi %get3A_494, %sub3A_503 : vector<16xi32>
    %jit3A_505 = arith.constant 0 : i32
    %broadcast_in_dim3A_506 = vector.broadcast %jit3A_505 : i32 to vector<16xi32>
    %select_n3A_507 = arith.select %and3A_502, %sub3A_504, %broadcast_in_dim3A_506 : vector<16xi1>, vector<16xi32>
    tpu.vector_store_idx %arg5[%select_n3A_507], %get3A_496 masked %and3A_502 : memref<640xf32, #tpu.memory_space<vmem>>[vector<16xi32>], vector<16xf32>, vector<16xi1>
    %get3A_508 = arith.constant 448 : index
    %get3A_509 = tpu.vector_load %arg6[%get3A_508] {strides = array<i32>} : memref<512xi32, #tpu.memory_space<vmem>>, vector<16xi32>,
    %get3A_510 = arith.constant 448 : index
    %get3A_511 = tpu.vector_load %arg7[%get3A_510] {strides = array<i32>} : memref<512xf32, #tpu.memory_space<vmem>>, vector<16xf32>,
    %ge3A_512 = vector.broadcast %select_n3A : i32 to vector<16xi32>
    %ge3A_513 = arith.cmpi sge, %get3A_509, %ge3A_512 : vector<16xi32>
    %add3A_514 = arith.addi %select_n3A, %select_n3A_10 : i32
    %lt3A_515 = vector.broadcast %add3A_514 : i32 to vector<16xi32>
    %lt3A_516 = arith.cmpi slt, %get3A_509, %lt3A_515 : vector<16xi32>
    %and3A_517 = arith.andi %ge3A_513, %lt3A_516 : vector<16xi1>
    %sub3A_518 = vector.broadcast %select_n3A : i32 to vector<16xi32>
    %sub3A_519 = arith.subi %get3A_509, %sub3A_518 : vector<16xi32>
    %jit3A_520 = arith.constant 0 : i32
    %broadcast_in_dim3A_521 = vector.broadcast %jit3A_520 : i32 to vector<16xi32>
    %select_n3A_522 = arith.select %and3A_517, %sub3A_519, %broadcast_in_dim3A_521 : vector<16xi1>, vector<16xi32>
    tpu.vector_store_idx %arg5[%select_n3A_522], %get3A_511 masked %and3A_517 : memref<640xf32, #tpu.memory_space<vmem>>[vector<16xi32>], vector<16xf32>, vector<16xi1>
    %get3A_523 = arith.constant 464 : index
    %get3A_524 = tpu.vector_load %arg6[%get3A_523] {strides = array<i32>} : memref<512xi32, #tpu.memory_space<vmem>>, vector<16xi32>,
    %get3A_525 = arith.constant 464 : index
    %get3A_526 = tpu.vector_load %arg7[%get3A_525] {strides = array<i32>} : memref<512xf32, #tpu.memory_space<vmem>>, vector<16xf32>,
    %ge3A_527 = vector.broadcast %select_n3A : i32 to vector<16xi32>
    %ge3A_528 = arith.cmpi sge, %get3A_524, %ge3A_527 : vector<16xi32>
    %add3A_529 = arith.addi %select_n3A, %select_n3A_10 : i32
    %lt3A_530 = vector.broadcast %add3A_529 : i32 to vector<16xi32>
    %lt3A_531 = arith.cmpi slt, %get3A_524, %lt3A_530 : vector<16xi32>
    %and3A_532 = arith.andi %ge3A_528, %lt3A_531 : vector<16xi1>
    %sub3A_533 = vector.broadcast %select_n3A : i32 to vector<16xi32>
    %sub3A_534 = arith.subi %get3A_524, %sub3A_533 : vector<16xi32>
    %jit3A_535 = arith.constant 0 : i32
    %broadcast_in_dim3A_536 = vector.broadcast %jit3A_535 : i32 to vector<16xi32>
    %select_n3A_537 = arith.select %and3A_532, %sub3A_534, %broadcast_in_dim3A_536 : vector<16xi1>, vector<16xi32>
    tpu.vector_store_idx %arg5[%select_n3A_537], %get3A_526 masked %and3A_532 : memref<640xf32, #tpu.memory_space<vmem>>[vector<16xi32>], vector<16xf32>, vector<16xi1>
    %get3A_538 = arith.constant 480 : index
    %get3A_539 = tpu.vector_load %arg6[%get3A_538] {strides = array<i32>} : memref<512xi32, #tpu.memory_space<vmem>>, vector<16xi32>,
    %get3A_540 = arith.constant 480 : index
    %get3A_541 = tpu.vector_load %arg7[%get3A_540] {strides = array<i32>} : memref<512xf32, #tpu.memory_space<vmem>>, vector<16xf32>,
    %ge3A_542 = vector.broadcast %select_n3A : i32 to vector<16xi32>
    %ge3A_543 = arith.cmpi sge, %get3A_539, %ge3A_542 : vector<16xi32>
    %add3A_544 = arith.addi %select_n3A, %select_n3A_10 : i32
    %lt3A_545 = vector.broadcast %add3A_544 : i32 to vector<16xi32>
    %lt3A_546 = arith.cmpi slt, %get3A_539, %lt3A_545 : vector<16xi32>
    %and3A_547 = arith.andi %ge3A_543, %lt3A_546 : vector<16xi1>
    %sub3A_548 = vector.broadcast %select_n3A : i32 to vector<16xi32>
    %sub3A_549 = arith.subi %get3A_539, %sub3A_548 : vector<16xi32>
    %jit3A_550 = arith.constant 0 : i32
    %broadcast_in_dim3A_551 = vector.broadcast %jit3A_550 : i32 to vector<16xi32>
    %select_n3A_552 = arith.select %and3A_547, %sub3A_549, %broadcast_in_dim3A_551 : vector<16xi1>, vector<16xi32>
    tpu.vector_store_idx %arg5[%select_n3A_552], %get3A_541 masked %and3A_547 : memref<640xf32, #tpu.memory_space<vmem>>[vector<16xi32>], vector<16xf32>, vector<16xi1>
    %get3A_553 = arith.constant 496 : index
    %get3A_554 = tpu.vector_load %arg6[%get3A_553] {strides = array<i32>} : memref<512xi32, #tpu.memory_space<vmem>>, vector<16xi32>,
    %get3A_555 = arith.constant 496 : index
    %get3A_556 = tpu.vector_load %arg7[%get3A_555] {strides = array<i32>} : memref<512xf32, #tpu.memory_space<vmem>>, vector<16xf32>,
    %ge3A_557 = vector.broadcast %select_n3A : i32 to vector<16xi32>
    %ge3A_558 = arith.cmpi sge, %get3A_554, %ge3A_557 : vector<16xi32>
    %add3A_559 = arith.addi %select_n3A, %select_n3A_10 : i32
    %lt3A_560 = vector.broadcast %add3A_559 : i32 to vector<16xi32>
    %lt3A_561 = arith.cmpi slt, %get3A_554, %lt3A_560 : vector<16xi32>
    %and3A_562 = arith.andi %ge3A_558, %lt3A_561 : vector<16xi1>
    %sub3A_563 = vector.broadcast %select_n3A : i32 to vector<16xi32>
    %sub3A_564 = arith.subi %get3A_554, %sub3A_563 : vector<16xi32>
    %jit3A_565 = arith.constant 0 : i32
    %broadcast_in_dim3A_566 = vector.broadcast %jit3A_565 : i32 to vector<16xi32>
    %select_n3A_567 = arith.select %and3A_562, %sub3A_564, %broadcast_in_dim3A_566 : vector<16xi1>, vector<16xi32>
    tpu.vector_store_idx %arg5[%select_n3A_567], %get3A_556 masked %and3A_562 : memref<640xf32, #tpu.memory_space<vmem>>[vector<16xi32>], vector<16xf32>, vector<16xi1>
    %convert_element_type3A = arith.extui %lt3A_1 : i1 to i32
    %cond3A = arith.constant 0 : i32
    %cond3A_568 = arith.cmpi ne, %convert_element_type3A, %cond3A : i32
    scf.if %cond3A_568 {
      "tpu.region"() ({
        %run_scoped3A = tpu.sem_alloc : memref<!tpu.dma_semaphore, #tpu.memory_space<semaphore_mem>>
        %dma_start3A = arith.constant 0 : i32
        %dma_start3A_573 = tpu.memref_slice %arg5[%dma_start3A] : memref<640xf32, #tpu.memory_space<vmem>> -> memref<632xf32, #tpu.memory_space<vmem>>
        %dma_start3A_574 = tpu.memref_slice %arg4[%select_n3A] : memref<20000xf32, #tpu.memory_space<hbm>> -> memref<632xf32, #tpu.memory_space<hbm>>
        %dma_start3A_575 = tpu.memref_slice %arg4[%select_n3A] : memref<20000xf32, #tpu.memory_space<hbm>> -> memref<632xf32, #tpu.memory_space<hbm>>
        %dma_start3A_576 = arith.constant 0 : i32
        %dma_start3A_577 = tpu.memref_slice %arg5[%dma_start3A_576] : memref<640xf32, #tpu.memory_space<vmem>> -> memref<632xf32, #tpu.memory_space<vmem>>
        tpu.enqueue_dma source(%dma_start3A_577 : memref<632xf32, #tpu.memory_space<vmem>>) target(%dma_start3A_575 : memref<632xf32, #tpu.memory_space<hbm>>) target_semaphore(%run_scoped3A : memref<!tpu.dma_semaphore, #tpu.memory_space<semaphore_mem>>)
        %dma_wait3A = arith.constant 0 : i32
        %dma_wait3A_578 = tpu.memref_slice %arg5[%dma_wait3A] : memref<640xf32, #tpu.memory_space<vmem>> -> memref<632xf32, #tpu.memory_space<vmem>>
        %dma_wait3A_579 = tpu.memref_slice %arg4[%select_n3A] : memref<20000xf32, #tpu.memory_space<hbm>> -> memref<632xf32, #tpu.memory_space<hbm>>
        %dma_wait3A_580 = tpu.memref_slice %arg4[%select_n3A] : memref<20000xf32, #tpu.memory_space<hbm>> -> memref<632xf32, #tpu.memory_space<hbm>>
        %dma_wait3A_581 = arith.constant 0 : i32
        %dma_wait3A_582 = tpu.memref_slice %arg5[%dma_wait3A_581] : memref<640xf32, #tpu.memory_space<vmem>> -> memref<632xf32, #tpu.memory_space<vmem>>
        tpu.wait_dma2 semaphore(%run_scoped3A : memref<!tpu.dma_semaphore, #tpu.memory_space<semaphore_mem>>) src(%dma_wait3A_582 : memref<632xf32, #tpu.memory_space<vmem>>) dst(%dma_wait3A_580 : memref<632xf32, #tpu.memory_space<hbm>>)
        tpu.yield
      }) : () -> ()
    } else {
    }
    %not3A = arith.constant true
    %not3A_569 = arith.xori %lt3A_1, %not3A : i1
    %convert_element_type3A_570 = arith.extui %not3A_569 : i1 to i32
    %cond3A_571 = arith.constant 0 : i32
    %cond3A_572 = arith.cmpi ne, %convert_element_type3A_570, %cond3A_571 : i32
    scf.if %cond3A_572 {
      "tpu.region"() ({
        %run_scoped3A = tpu.sem_alloc : memref<!tpu.dma_semaphore, #tpu.memory_space<semaphore_mem>>
        %dma_start3A = arith.constant 0 : i32
        %dma_start3A_573 = tpu.memref_slice %arg5[%dma_start3A] : memref<640xf32, #tpu.memory_space<vmem>> -> memref<624xf32, #tpu.memory_space<vmem>>
        %dma_start3A_574 = tpu.memref_slice %arg4[%select_n3A] : memref<20000xf32, #tpu.memory_space<hbm>> -> memref<624xf32, #tpu.memory_space<hbm>>
        %dma_start3A_575 = tpu.memref_slice %arg4[%select_n3A] : memref<20000xf32, #tpu.memory_space<hbm>> -> memref<624xf32, #tpu.memory_space<hbm>>
        %dma_start3A_576 = arith.constant 0 : i32
        %dma_start3A_577 = tpu.memref_slice %arg5[%dma_start3A_576] : memref<640xf32, #tpu.memory_space<vmem>> -> memref<624xf32, #tpu.memory_space<vmem>>
        tpu.enqueue_dma source(%dma_start3A_577 : memref<624xf32, #tpu.memory_space<vmem>>) target(%dma_start3A_575 : memref<624xf32, #tpu.memory_space<hbm>>) target_semaphore(%run_scoped3A : memref<!tpu.dma_semaphore, #tpu.memory_space<semaphore_mem>>)
        %dma_wait3A = arith.constant 0 : i32
        %dma_wait3A_578 = tpu.memref_slice %arg5[%dma_wait3A] : memref<640xf32, #tpu.memory_space<vmem>> -> memref<624xf32, #tpu.memory_space<vmem>>
        %dma_wait3A_579 = tpu.memref_slice %arg4[%select_n3A] : memref<20000xf32, #tpu.memory_space<hbm>> -> memref<624xf32, #tpu.memory_space<hbm>>
        %dma_wait3A_580 = tpu.memref_slice %arg4[%select_n3A] : memref<20000xf32, #tpu.memory_space<hbm>> -> memref<624xf32, #tpu.memory_space<hbm>>
        %dma_wait3A_581 = arith.constant 0 : i32
        %dma_wait3A_582 = tpu.memref_slice %arg5[%dma_wait3A_581] : memref<640xf32, #tpu.memory_space<vmem>> -> memref<624xf32, #tpu.memory_space<vmem>>
        tpu.wait_dma2 semaphore(%run_scoped3A : memref<!tpu.dma_semaphore, #tpu.memory_space<semaphore_mem>>) src(%dma_wait3A_582 : memref<624xf32, #tpu.memory_space<vmem>>) dst(%dma_wait3A_580 : memref<624xf32, #tpu.memory_space<hbm>>)
        tpu.yield
      }) : () -> ()
    } else {
    }
    return
  }
}

module attributes {stable_mosaic.version = 14 : i64} {
  func.func @_compute_body(%arg0: memref<3x80x512xf32, #tpu.memory_space<vmem>>, %arg1: memref<2x8x512xf32, #tpu.memory_space<vmem>>, %arg2: memref<80x32xf32, #tpu.memory_space<vmem>>, %arg3: memref<4x32xf32, #tpu.memory_space<vmem>>, %arg4: memref<1x512xi32, #tpu.memory_space<vmem>>, %arg5: memref<100x4xf32, #tpu.memory_space<vmem>>, %arg6: memref<100x1xi32, #tpu.memory_space<vmem>>, %arg7: memref<1x512xf32, #tpu.memory_space<vmem>>) attributes {dimension_semantics = [], scalar_prefetch = 0 : i64, scratch_operands = 0 : i64, tpu.core_type = #tpu.core_type<tc>} {
    %iota3A = tpu.iota {dimensions = array<i32: 0>} : vector<32x512xi32>
    %add3A = arith.constant 19968 : i32
    %add3A_0 = vector.broadcast %add3A : i32 to vector<32x512xi32>
    %add3A_1 = arith.addi %iota3A, %add3A_0 : vector<32x512xi32>
    %get3A = arith.constant 0 : index
    %get3A_2 = arith.constant 0 : index
    %get3A_3 = vector.load %arg4[%get3A, %get3A_2] : memref<1x512xi32, #tpu.memory_space<vmem>>, vector<1x512xi32>
    %eq3A = vector.broadcast %get3A_3 : vector<1x512xi32> to vector<32x512xi32>
    %eq3A_4 = arith.cmpi eq, %add3A_1, %eq3A : vector<32x512xi32>
    %convert_element_type3A = arith.extui %eq3A_4 : vector<32x512xi1> to vector<32x512xi32>
    %convert_element_type3A_5 = arith.sitofp %convert_element_type3A : vector<32x512xi32> to vector<32x512xf32>
    %get3A_6 = arith.constant 0 : index
    %get3A_7 = arith.constant 0 : index
    %get3A_8 = arith.constant 0 : index
    %get3A_9 = vector.load %arg0[%get3A_6, %get3A_7, %get3A_8] : memref<3x80x512xf32, #tpu.memory_space<vmem>>, vector<1x80x512xf32>
    %get3A_10 = vector.shape_cast %get3A_9 : vector<1x80x512xf32> to vector<80x512xf32>
    %get3A_11 = arith.constant 1 : index
    %get3A_12 = arith.constant 0 : index
    %get3A_13 = arith.constant 0 : index
    %get3A_14 = vector.load %arg0[%get3A_11, %get3A_12, %get3A_13] : memref<3x80x512xf32, #tpu.memory_space<vmem>>, vector<1x80x512xf32>
    %get3A_15 = vector.shape_cast %get3A_14 : vector<1x80x512xf32> to vector<80x512xf32>
    %add3A_16 = arith.addf %get3A_10, %get3A_15 : vector<80x512xf32>
    %get3A_17 = arith.constant 2 : index
    %get3A_18 = arith.constant 0 : index
    %get3A_19 = arith.constant 0 : index
    %get3A_20 = vector.load %arg0[%get3A_17, %get3A_18, %get3A_19] : memref<3x80x512xf32, #tpu.memory_space<vmem>>, vector<1x80x512xf32>
    %get3A_21 = vector.shape_cast %get3A_20 : vector<1x80x512xf32> to vector<80x512xf32>
    %add3A_22 = arith.addf %add3A_16, %get3A_21 : vector<80x512xf32>
    %get3A_23 = arith.constant 0 : index
    %get3A_24 = arith.constant 0 : index
    %get3A_25 = vector.load %arg2[%get3A_23, %get3A_24] : memref<80x32xf32, #tpu.memory_space<vmem>>, vector<80x32xf32>
    %dot_general3A = arith.constant dense<0.000000e+00> : vector<80x512xf32>
    %dot_general3A_26 = tpu.matmul %get3A_25, %convert_element_type3A_5, %dot_general3A {dimension_numbers = #tpu.dot_dimension_numbers<[1], [0], [0], [1], [0, 0, 1, 1], [], []>, precision = #tpu.contract_precision<fp32>, transpose_lhs_hint = false} : vector<80x32xf32>, vector<32x512xf32>, vector<80x512xf32> -> vector<80x512xf32>
    %add3A_27 = arith.addf %add3A_22, %dot_general3A_26 : vector<80x512xf32>
    %get3A_28 = arith.constant 0 : index
    %get3A_29 = arith.constant 0 : index
    %get3A_30 = arith.constant 0 : index
    %get3A_31 = vector.load %arg1[%get3A_28, %get3A_29, %get3A_30] : memref<2x8x512xf32, #tpu.memory_space<vmem>>, vector<1x8x512xf32>
    %get3A_32 = vector.shape_cast %get3A_31 : vector<1x8x512xf32> to vector<8x512xf32>
    %slice3A = vector.extract_strided_slice %get3A_32 {offsets = [0, 0], sizes = [4, 512], strides = [1, 1]} : vector<8x512xf32> to vector<4x512xf32>
    %get3A_33 = arith.constant 1 : index
    %get3A_34 = arith.constant 0 : index
    %get3A_35 = arith.constant 0 : index
    %get3A_36 = vector.load %arg1[%get3A_33, %get3A_34, %get3A_35] : memref<2x8x512xf32, #tpu.memory_space<vmem>>, vector<1x8x512xf32>
    %get3A_37 = vector.shape_cast %get3A_36 : vector<1x8x512xf32> to vector<8x512xf32>
    %slice3A_38 = vector.extract_strided_slice %get3A_37 {offsets = [0, 0], sizes = [4, 512], strides = [1, 1]} : vector<8x512xf32> to vector<4x512xf32>
    %add3A_39 = arith.addf %slice3A, %slice3A_38 : vector<4x512xf32>
    %get3A_40 = arith.constant 0 : index
    %get3A_41 = arith.constant 0 : index
    %get3A_42 = vector.load %arg3[%get3A_40, %get3A_41] : memref<4x32xf32, #tpu.memory_space<vmem>>, vector<4x32xf32>
    %dot_general3A_43 = arith.constant dense<0.000000e+00> : vector<4x512xf32>
    %dot_general3A_44 = tpu.matmul %get3A_42, %convert_element_type3A_5, %dot_general3A_43 {dimension_numbers = #tpu.dot_dimension_numbers<[1], [0], [0], [1], [0, 0, 1, 1], [], []>, precision = #tpu.contract_precision<fp32>, transpose_lhs_hint = false} : vector<4x32xf32>, vector<32x512xf32>, vector<4x512xf32> -> vector<4x512xf32>
    %add3A_45 = arith.addf %add3A_39, %dot_general3A_44 : vector<4x512xf32>
    %logistic3A = arith.negf %add3A_27 : vector<80x512xf32>
    %logistic3A_46 = math.exp %logistic3A : vector<80x512xf32>
    %logistic3A_47 = arith.constant 1.000000e+00 : f32
    %logistic3A_48 = vector.broadcast %logistic3A_47 : f32 to vector<80x512xf32>
    %logistic3A_49 = arith.addf %logistic3A_48, %logistic3A_46 : vector<80x512xf32>
    %logistic3A_50 = arith.divf %logistic3A_48, %logistic3A_49 : vector<80x512xf32>
    %iota3A_51 = tpu.iota {dimensions = array<i32: 1>} : vector<100x80xi32>
    %get3A_52 = arith.constant 0 : index
    %get3A_53 = arith.constant 0 : index
    %get3A_54 = vector.load %arg6[%get3A_52, %get3A_53] : memref<100x1xi32, #tpu.memory_space<vmem>>, vector<100x1xi32>
    %eq3A_55 = vector.broadcast %get3A_54 : vector<100x1xi32> to vector<100x80xi32>
    %eq3A_56 = arith.cmpi eq, %iota3A_51, %eq3A_55 : vector<100x80xi32>
    %convert_element_type3A_57 = arith.extui %eq3A_56 : vector<100x80xi1> to vector<100x80xi32>
    %convert_element_type3A_58 = arith.sitofp %convert_element_type3A_57 : vector<100x80xi32> to vector<100x80xf32>
    %dot_general3A_59 = arith.constant dense<0.000000e+00> : vector<100x512xf32>
    %dot_general3A_60 = tpu.matmul %convert_element_type3A_58, %logistic3A_50, %dot_general3A_59 {dimension_numbers = #tpu.dot_dimension_numbers<[1], [0], [0], [1], [0, 0, 1, 1], [], []>, precision = #tpu.contract_precision<fp32>, transpose_lhs_hint = false} : vector<100x80xf32>, vector<80x512xf32>, vector<100x512xf32> -> vector<100x512xf32>
    %slice3A_61 = vector.extract_strided_slice %add3A_45 {offsets = [0, 0], sizes = [1, 512], strides = [1, 1]} : vector<4x512xf32> to vector<1x512xf32>
    %slice3A_62 = vector.extract_strided_slice %add3A_45 {offsets = [1, 0], sizes = [1, 512], strides = [1, 1]} : vector<4x512xf32> to vector<1x512xf32>
    %slice3A_63 = vector.extract_strided_slice %add3A_45 {offsets = [2, 0], sizes = [1, 512], strides = [1, 1]} : vector<4x512xf32> to vector<1x512xf32>
    %slice3A_64 = vector.extract_strided_slice %add3A_45 {offsets = [3, 0], sizes = [1, 512], strides = [1, 1]} : vector<4x512xf32> to vector<1x512xf32>
    %get3A_65 = arith.constant 0 : index
    %get3A_66 = arith.constant 0 : index
    %get3A_67 = vector.load %arg5[%get3A_65, %get3A_66] : memref<100x4xf32, #tpu.memory_space<vmem>>, vector<100x1xf32>
    %get3A_68 = arith.constant 0 : index
    %get3A_69 = arith.constant 1 : index
    %get3A_70 = vector.load %arg5[%get3A_68, %get3A_69] : memref<100x4xf32, #tpu.memory_space<vmem>>, vector<100x1xf32>
    %get3A_71 = arith.constant 0 : index
    %get3A_72 = arith.constant 2 : index
    %get3A_73 = vector.load %arg5[%get3A_71, %get3A_72] : memref<100x4xf32, #tpu.memory_space<vmem>>, vector<100x1xf32>
    %get3A_74 = arith.constant 0 : index
    %get3A_75 = arith.constant 3 : index
    %get3A_76 = vector.load %arg5[%get3A_74, %get3A_75] : memref<100x4xf32, #tpu.memory_space<vmem>>, vector<100x1xf32>
    %sub3A = arith.subf %slice3A_63, %slice3A_61 : vector<1x512xf32>
    %sub3A_77 = arith.subf %slice3A_64, %slice3A_62 : vector<1x512xf32>
    %mul3A = arith.mulf %sub3A, %sub3A_77 : vector<1x512xf32>
    %sub3A_78 = arith.subf %get3A_73, %get3A_67 : vector<100x1xf32>
    %sub3A_79 = arith.subf %get3A_76, %get3A_70 : vector<100x1xf32>
    %mul3A_80 = arith.mulf %sub3A_78, %sub3A_79 : vector<100x1xf32>
    %min3A = vector.broadcast %slice3A_63 : vector<1x512xf32> to vector<100x512xf32>
    %min3A_81 = vector.broadcast %get3A_73 : vector<100x1xf32> to vector<100x512xf32>
    %min3A_82 = arith.minimumf %min3A, %min3A_81 : vector<100x512xf32>
    %max3A = vector.broadcast %slice3A_61 : vector<1x512xf32> to vector<100x512xf32>
    %max3A_83 = vector.broadcast %get3A_67 : vector<100x1xf32> to vector<100x512xf32>
    %max3A_84 = arith.maximumf %max3A, %max3A_83 : vector<100x512xf32>
    %sub3A_85 = arith.subf %min3A_82, %max3A_84 : vector<100x512xf32>
    %jit3A = arith.constant 0.000000e+00 : f32
    %max3A_86 = vector.broadcast %jit3A : f32 to vector<100x512xf32>
    %max3A_87 = arith.maximumf %max3A_86, %sub3A_85 : vector<100x512xf32>
    %min3A_88 = vector.broadcast %slice3A_64 : vector<1x512xf32> to vector<100x512xf32>
    %min3A_89 = vector.broadcast %get3A_76 : vector<100x1xf32> to vector<100x512xf32>
    %min3A_90 = arith.minimumf %min3A_88, %min3A_89 : vector<100x512xf32>
    %max3A_91 = vector.broadcast %slice3A_62 : vector<1x512xf32> to vector<100x512xf32>
    %max3A_92 = vector.broadcast %get3A_70 : vector<100x1xf32> to vector<100x512xf32>
    %max3A_93 = arith.maximumf %max3A_91, %max3A_92 : vector<100x512xf32>
    %sub3A_94 = arith.subf %min3A_90, %max3A_93 : vector<100x512xf32>
    %jit3A_95 = arith.constant 0.000000e+00 : f32
    %max3A_96 = vector.broadcast %jit3A_95 : f32 to vector<100x512xf32>
    %max3A_97 = arith.maximumf %max3A_96, %sub3A_94 : vector<100x512xf32>
    %mul3A_98 = arith.mulf %max3A_87, %max3A_97 : vector<100x512xf32>
    %add3A_99 = vector.broadcast %mul3A : vector<1x512xf32> to vector<100x512xf32>
    %add3A_100 = vector.broadcast %mul3A_80 : vector<100x1xf32> to vector<100x512xf32>
    %add3A_101 = arith.addf %add3A_99, %add3A_100 : vector<100x512xf32>
    %sub3A_102 = arith.subf %add3A_101, %mul3A_98 : vector<100x512xf32>
    %max3A_103 = arith.constant 9.99999997E-7 : f32
    %max3A_104 = vector.broadcast %max3A_103 : f32 to vector<100x512xf32>
    %max3A_105 = arith.maximumf %sub3A_102, %max3A_104 : vector<100x512xf32>
    %div3A = arith.divf %mul3A_98, %max3A_105 : vector<100x512xf32>
    %gt3A = arith.constant 0.000000e+00 : f32
    %gt3A_106 = vector.broadcast %gt3A : f32 to vector<100x512xf32>
    %gt3A_107 = arith.cmpf ogt, %dot_general3A_60, %gt3A_106 : vector<100x512xf32>
    %jit3A_108 = arith.constant 1.000000e+00 : f32
    %broadcast_in_dim3A = vector.broadcast %jit3A_108 : f32 to vector<100x512xf32>
    %select_n3A = arith.select %gt3A_107, %dot_general3A_60, %broadcast_in_dim3A : vector<100x512xi1>, vector<100x512xf32>
    %gt3A_109 = arith.constant 0.000000e+00 : f32
    %gt3A_110 = vector.broadcast %gt3A_109 : f32 to vector<100x512xf32>
    %gt3A_111 = arith.cmpf ogt, %dot_general3A_60, %gt3A_110 : vector<100x512xf32>
    %pow3A = arith.constant 2.000000e-01 : f32
    %pow3A_112 = vector.broadcast %pow3A : f32 to vector<100x512xf32>
    %pow3A_113 = math.powf %select_n3A, %pow3A_112 : vector<100x512xf32>
    %jit3A_114 = arith.constant 0.000000e+00 : f32
    %broadcast_in_dim3A_115 = vector.broadcast %jit3A_114 : f32 to vector<100x512xf32>
    %select_n3A_116 = arith.select %gt3A_111, %pow3A_113, %broadcast_in_dim3A_115 : vector<100x512xi1>, vector<100x512xf32>
    %gt3A_117 = arith.constant 0.000000e+00 : f32
    %gt3A_118 = vector.broadcast %gt3A_117 : f32 to vector<100x512xf32>
    %gt3A_119 = arith.cmpf ogt, %div3A, %gt3A_118 : vector<100x512xf32>
    %jit3A_120 = arith.constant 1.000000e+00 : f32
    %broadcast_in_dim3A_121 = vector.broadcast %jit3A_120 : f32 to vector<100x512xf32>
    %select_n3A_122 = arith.select %gt3A_119, %div3A, %broadcast_in_dim3A_121 : vector<100x512xi1>, vector<100x512xf32>
    %gt3A_123 = arith.constant 0.000000e+00 : f32
    %gt3A_124 = vector.broadcast %gt3A_123 : f32 to vector<100x512xf32>
    %gt3A_125 = arith.cmpf ogt, %div3A, %gt3A_124 : vector<100x512xf32>
    %pow3A_126 = arith.constant 8.000000e-01 : f32
    %pow3A_127 = vector.broadcast %pow3A_126 : f32 to vector<100x512xf32>
    %pow3A_128 = math.powf %select_n3A_122, %pow3A_127 : vector<100x512xf32>
    %jit3A_129 = arith.constant 0.000000e+00 : f32
    %broadcast_in_dim3A_130 = vector.broadcast %jit3A_129 : f32 to vector<100x512xf32>
    %select_n3A_131 = arith.select %gt3A_125, %pow3A_128, %broadcast_in_dim3A_130 : vector<100x512xi1>, vector<100x512xf32>
    %mul3A_132 = arith.mulf %select_n3A_116, %select_n3A_131 : vector<100x512xf32>
    %reduce_max3A = arith.constant dense<0xFF800000> : vector<512xf32>
    %reduce_max3A_133 = vector.multi_reduction <maximumf>, %mul3A_132, %reduce_max3A [0] : vector<100x512xf32> to vector<512xf32>
    %broadcast_in_dim3A_134 = vector.shape_cast %reduce_max3A_133 : vector<512xf32> to vector<1x512xf32>
    %lt3A = arith.constant 0.000000e+00 : f32
    %lt3A_135 = vector.broadcast %lt3A : f32 to vector<1x512xf32>
    %lt3A_136 = arith.cmpf olt, %broadcast_in_dim3A_134, %lt3A_135 : vector<1x512xf32>
    %jit3A_137 = arith.constant 0.000000e+00 : f32
    %broadcast_in_dim3A_138 = vector.broadcast %jit3A_137 : f32 to vector<1x512xf32>
    %select_n3A_139 = arith.select %lt3A_136, %broadcast_in_dim3A_138, %broadcast_in_dim3A_134 : vector<1x512xi1>, vector<1x512xf32>
    %swap3A = arith.constant 0 : index
    %swap3A_140 = arith.constant 0 : index
    %swap3A_141 = vector.load %arg7[%swap3A, %swap3A_140] : memref<1x512xf32, #tpu.memory_space<vmem>>, vector<1x512xf32>
    tpu.vector_store %arg7[%swap3A, %swap3A_140], %select_n3A_139 {strides = array<i32>} : memref<1x512xf32, #tpu.memory_space<vmem>>, vector<1x512xf32>,
    return
  }
}

</mosaic_0001>

<sc_bundles>
// kernel: kernel.5.cloned.1.call-start
scs
__scs_entry_jumppad:
0x0: {  	(pc) =	sbr.rel $0x88, $3  }
0x1: {  	(tag) =	ssettag $0x0;
	lr =	simm.s32 $0x1  }
0x2: {  	[smem:$0x3F9C] =	sst lr;
	_ =	strace $0xD0000000  }
0x3: {  	_ = 	snop  }
0x4: {  	_ = 	snop  }
0x5: {  	_ = 	snop  }
0x6: {  	_ = 	snop  }
0x7: {  	_ = 	snop  }
__scs_overlays_trampoline_lowered:
0x8: {  	[smem:$0x3FAB] =	sst s0  }
0x9: {  	[smem:$0x3FAC] =	sst s1  }
0xa: {  	[smem:$0x3FAD] =	sst s2  }
0xb: {  	[smem:$0x3FAE] =	sst s3  }
0xc: {  	[smem:$0x3FAF] =	sst s4  }
0xd: {  	[smem:$0x3FB0] =	sst s5  }
0xe: {  	[smem:$0x3FB1] =	sst s6  }
0xf: {  	[smem:$0x3FB2] =	sst s7  }
0x10: {  	[smem:$0x3FB3] =	sst s8  }
0x11: {  	[smem:$0x3FB4] =	sst s9;
	s0 =	simm.s32 @!p0 $0x0  }
0x12: {  	s1 =	sld [smem:$0x3F9A];
	s0 =	simm.s32 @p0 $0x1  }
0x13: {  	[smem:$0x3FB5] =	sst s0;
	s0 =	simm.s32 @!p1 $0x0  }
0x14: {  	s2 =	sld [smem:$0x3F99];
	s0 =	simm.s32 @p1 $0x1  }
0x15: {  	[smem:$0x3FB6] =	sst s0;
	s0 =	simm.s32 @!p2 $0x0  }
0x16: {  	s3 =	sld [smem:$0x3FDB];
	s0 =	simm.s32 @p2 $0x1  }
0x17: {  	s4 =	simm.s32 $0x1BF5;
	[smem:$0x3FB8] =	sst s0  }
0x18: {  	s0 =	sld [smem:$0x3F9B];
	_ =	swait.ge [sflag:s4], $0x0  }
0x19: {  	s7 =	sld [smem:$0x3F9C]  }
0x1a: {  	s8 =	sadd.s32 $0xFFFFE003, lr  }
0x1b: {  	s9 =	sadd.s32 $0xFFFFFEF7, lr;
	s5 =	simm.s32 $0xFFFFFFFF;
	p2 =	slt.u32 s8, $0xFFFFF086  }
0x1c: {  	p1 =	slt.u32 s9, $0xF7A;
	s5 =	simm.s32 @!p2 $0x0  }
0x1d: {  	s5 =	simm.s32 @p1 $0x1;
	p0 =	seq.s32 s7, s2  }
0x1e: {  	s7 =	smul.u32 @!p0 $0xF7A, s2;
	p2 =	seq.s32 @!p0 s5, $0x0  }
0x1f: {  	s9 =	smul.u32 $0xF7A, s1;
	s8 =	simm.s32 @!p0 $0x1BF5;
	p2 =	por !p2, p0  }
0x20: {  	[sflag:s8] =	ssyncset.s32 @!p0 $0xFFFFF086;
	s6 =	sadd.s32 @!p0 s3, s7;
	s7 =	simm.s32 @!p0 $0x108  }
0x21: {  	s3 =	sadd.s32 s3, s9;
	s6 =	sadd.s32 @!p0 $0x88, s6;
	s7 =	simm.s32 @p2 $0x1082  }
0x22: {  	[simem:s7], [sflag:s8] =	dma.local @!p0 [hbm:s6], $0xF7A  }
0x23: {  	s9 =	sor.u32 $0xD0000000, s2;
	s6 =	simm.s32 $0x108;
	_ =	swait.ge @!p0 [sflag:s8], $0x0  }
0x24: {  	s3 =	sadd.s32 $0x88, s3;
	s6 =	simm.s32 @!p1 $0x1082;
	[sflag:s4] =	ssyncset.s32 $0xFFFFF086  }
0x25: {  	[simem:s6], [sflag:s4] =	dma.local [hbm:s3], $0xF7A  }
0x26: {  	[smem:$0x3F9C] =	sst s1;
	(tag) =	ssettag s2;
	_ =	strace s9  }
0x27: {  	s1 =	sld [smem:$0x3FAC]  }
0x28: {  	s2 =	sld [smem:$0x3FAD]  }
0x29: {  	s4 =	sld [smem:$0x3FAF]  }
0x2a: {  	p0 =	seq.s32 s5, $0x0;
	s5 =	sld [smem:$0x3FB0]  }
0x2b: {  	s6 =	sld [smem:$0x3FB1]  }
0x2c: {  	s7 =	sld [smem:$0x3FB2]  }
0x2d: {  	s3 =	simm.s32 $0x108;
	s8 =	sld [smem:$0x3FB3]  }
0x2e: {  	s3 =	simm.s32 @!p0 $0x1082;
	s9 =	sld [smem:$0x3FB4]  }
0x2f: {  	lr =	sadd.s32 s0, s3;
	s0 =	sld [smem:$0x3FAB]  }
0x30: {  	s3 =	sld [smem:$0x3FAE]  }
0x31: {  	[smem:$0x3FB7] =	sst s10  }
0x32: {  	s10 =	sld [smem:$0x3FB5];
	_ =	sdelay $0x3  }
0x33: {  	p0 =	seq.s32 s10, $0x1;
	s10 =	sld [smem:$0x3FB7];
	_ =	sdelay $0x3  }
0x34: {  	[smem:$0x3FB7] =	sst s10  }
0x35: {  	s10 =	sld [smem:$0x3FB6];
	_ =	sdelay $0x3  }
0x36: {  	p1 =	seq.s32 s10, $0x1;
	s10 =	sld [smem:$0x3FB7];
	_ =	sdelay $0x3  }
0x37: {  	[smem:$0x3FB7] =	sst s10  }
0x38: {  	s10 =	sld [smem:$0x3FB8]  }
0x39: {  	_ = 	snop;
	(pc) =	sbr.ind lr, $3  }
0x3a: {  	_ = 	snop  }
0x3b: {  	_ = 	snop  }
0x3c: {  	p2 =	seq.s32 s10, $0x1;
	s10 =	sld [smem:$0x3FB7]  }
0x3d: {  	_ =	shalt  }
0x3e: {  	_ =	shalt  }
0x3f: {  	_ =	shalt  }
0x40: {  	_ =	shalt  }
0x41: {  	_ =	shalt  }
0x42: {  	_ =	shalt  }
0x43: {  	_ =	shalt  }
0x44: {  	_ =	shalt  }
0x45: {  	_ =	shalt  }
0x46: {  	_ =	shalt  }
0x47: {  	_ =	shalt  }
0x48: {  	_ =	shalt  }
0x49: {  	_ =	shalt  }
0x4a: {  	_ =	shalt  }
0x4b: {  	_ =	shalt  }
0x4c: {  	_ =	shalt  }
0x4d: {  	_ =	shalt  }
0x4e: {  	_ =	shalt  }
0x4f: {  	_ =	shalt  }
0x50: {  	_ =	shalt  }
0x51: {  	_ =	shalt  }
0x52: {  	_ =	shalt  }
0x53: {  	_ =	shalt  }
0x54: {  	_ =	shalt  }
0x55: {  	_ =	shalt  }
0x56: {  	_ =	shalt  }
0x57: {  	_ =	shalt  }
0x58: {  	_ =	shalt  }
0x59: {  	_ =	shalt  }
0x5a: {  	_ =	shalt  }
0x5b: {  	_ =	shalt  }
0x5c: {  	_ =	shalt  }
0x5d: {  	_ =	shalt  }
0x5e: {  	_ =	shalt  }
0x5f: {  	_ =	shalt  }
0x60: {  	_ =	shalt  }
0x61: {  	_ =	shalt  }
0x62: {  	_ =	shalt  }
0x63: {  	_ =	shalt  }
0x64: {  	_ =	shalt  }
0x65: {  	_ =	shalt  }
0x66: {  	_ =	shalt  }
0x67: {  	_ =	shalt  }
0x68: {  	_ =	shalt  }
0x69: {  	_ =	shalt  }
0x6a: {  	_ =	shalt  }
0x6b: {  	_ =	shalt  }
0x6c: {  	_ =	shalt  }
0x6d: {  	_ =	shalt  }
0x6e: {  	_ =	shalt  }
0x6f: {  	_ =	shalt  }
0x70: {  	_ =	shalt  }
0x71: {  	_ =	shalt  }
0x72: {  	_ =	shalt  }
0x73: {  	_ =	shalt  }
0x74: {  	_ =	shalt  }
0x75: {  	_ =	shalt  }
0x76: {  	_ =	shalt  }
0x77: {  	_ =	shalt  }
0x78: {  	_ =	shalt  }
0x79: {  	_ =	shalt  }
0x7a: {  	_ =	shalt  }
0x7b: {  	_ =	shalt  }
0x7c: {  	_ =	shalt  }
0x7d: {  	_ =	shalt  }
0x7e: {  	_ =	shalt  }
0x7f: {  	_ =	shalt  }
0x80: {  	_ =	shalt  }
0x81: {  	_ =	shalt  }
0x82: {  	_ =	shalt  }
0x83: {  	_ =	shalt  }
0x84: {  	_ =	shalt  }
0x85: {  	_ =	shalt  }
0x86: {  	_ =	shalt  }
0x87: {  	_ =	shalt  }
.Lfunc_end0:
.L_simem_size_0:
called_computation_lowered:
.L_overlay_start_0:
0x88: {  	s2 =	sld [smem:$0x3FD9]  }
0x89: {  	s3 =	sld [smem:$0x3FFE];
	_ =	sdelay $0x1  }
0x8a: {  	s1 =	srdreg.scid  }
0x8b: {  	s0 =	sand.u32 $0x1, s1  }
0x8c: {  	s17 =	sshll.u32 s0, $0xA;
	s2 =	sadd.s32 s3, s2  }
0x8d: {  	s2 =	sadd.s32 s2, s17  }
0x8e: {  	[smem:$0x3FC3] =	sst s2  }
0x8f: {  	_ = 	snop  }
0x90: {  	s2 =	sld [smem:$0x3FC9]  }
0x91: {  	s18 =	sld [smem:$0x3FC8]  }
0x92: {  	s4 =	sld [smem:$0x3FC6]  }
0x93: {  	s5 =	sld [smem:$0x3FD0];
	(tm) =	ssettm $0x1  }
0x94: {  	s6 =	sld [smem:$0x3FFB];
	_ =	sdelay $0x3  }
0x95: {  	_ =	strace s6  }
0x96: {  	s6 =	sld [smem:$0x3FFC];
	_ =	sdelay $0x3  }
0x97: {  	_ =	strace s6  }
0x98: {  	s6 =	sld [smem:$0x3FFD];
	_ =	sdelay $0x3  }
0x99: {  	_ =	strace s6  }
0x9a: {  	_ =	strace $0x8FFFFFFF  }
0x9b: {  	s19 =	sld [smem:$0x3FDB];
	_ =	sdelay $0x1  }
0x9c: {  	s7 =	simm.s32 $_scs_section_size  }
0x9d: {  	s8 =	simm.s32 $_size__tile_overlayer_lowered;
	s9 =	simm.s32 $_tile_overlayer_lowered  }
0x9e: {  	s22 =	simm.s32 $0x1BFF;
	s21 =	sshll.u32 s9, $0x1;
	s6 =	sadd.s32 s7, s19  }
0x9f: {  	s10 =	simm.s32 $0x0;
	s20 =	sshll.u32 s8, $0x1;
	s8 =	sadd.s32 s21, s6  }
0xa0: {  	[timem:s10], [sflag:s22] =	dma.local [hbm:s8], s20  }
0xa1: {  	_ =	swait.ge [sflag:s22], s20  }
0xa2: {  	s7 =	ssub.s32 $0x0, s20;
	[sflag:s22] =	ssyncset.done $0x0  }
0xa3: {  	[sflag:s22] =	ssyncadd.s32 s7;
	_ =	sdelay $0x1  }
0xa4: {  	s23 =	simm.s32 $0x1B8B  }
0xa5: {  	_ =	swait.ge [sflag:s23], $0x1  }
0xa6: {  	[sflag:s23] =	ssyncset.done $0x0  }
0xa7: {  	s25 =	simm.s32 $0x1B8E;
	s24 =	sld [smem:$0x3FFE];
	[sflag:s23] =	ssyncadd.s32 $0xFFFFFFFF  }
0xa8: {  	s26 =	simm.s32 $execute0_lowered;
	[smem:$0x3FD2] =	sst s25  }
0xa9: {  	s8 =	sshll.u32 s26, $0x1;
	_ =	strace $0x80000046;
	[dreg:$0x1] =	wrdreg $0xFFFFFFFF  }
0xaa: {  	s28 =	simm.s32 $_size_execute0_lowered;
	s6 =	sadd.s32 s6, s8;
	[dreg:$0x0] =	wrdreg $0x0  }
0xab: {  	s8 =	sshll.u32 s28, $0x1;
	[dreg:$0x2] =	wrdreg s6  }
0xac: {  	[dreg:$0x3] =	wrdreg s8  }
0xad: {  	[dreg:$0x4] =	wrdreg $0xC0  }
0xae: {  	_ =	task [dreg:s10], $0x5FFFF  }
0xaf: {  	[dreg:$0x1] =	wrdreg $0xFFFFFFFF  }
0xb0: {  	[dreg:$0x0] =	wrdreg $0x60  }
0xb1: {  	[dreg:$0x2] =	wrdreg s2  }
0xb2: {  	[dreg:$0x3] =	wrdreg s18  }
0xb3: {  	[dreg:$0x4] =	wrdreg s4  }
0xb4: {  	[dreg:$0x5] =	wrdreg s24  }
0xb5: {  	[dreg:$0x6] =	wrdreg s5  }
0xb6: {  	[dreg:$0x7] =	wrdreg $0x9  }
0xb7: {  	_ =	task.clear_ibuf [dreg:s10], $0x8FFFF;
	_ =	strace $0x90000046  }
0xb8: {  	s29 =	simm.s32 $0x9;
	_ =	strace $0x80000048  }
0xb9: {  	_ =	swait.ge [sflag:s29], $0x1  }
0xba: {  	[sflag:s29] =	ssyncadd.s32 $0xFFFFFFFF  }
0xbb: {  	_ =	strace $0x90000048  }
0xbc: {  	_ =	sfence  }
0xbd: {  	s30 =	sld [smem:$0x0];
	_ =	sdelay $0x2  }
0xbe: {  	s31 =	sshll.u32 s1, $0xD;
	s1 =	sshrl.u32 s1, $0x2  }
0xbf: {  	s3 =	sand.u32 $0x4000, s31;
	s1 =	sadd.s32 s1, s30  }
0xc0: {  	s0 =	sor.u32 s3, s0;
	s1 =	sshll.u32 s1, $0x11  }
0xc1: {  	s0 =	sor.u32 s1, s0  }
0xc2: {  	s0 =	sadd.s32 $0x8F2B, s0  }
0xc3: {  	[sflag:s0] =	ssyncadd.remote.s32 $0x1  }
0xc4: {  	_ =	sfence.sel $0xFFFF  }
0xc5: {  	[dreg:$0x0] =	wrdreg $0xFFFFFFFF;
	(pc) =	sbr.abs _section_cstart, $3  }
0xc6: {  	[dreg:$0x1] =	wrdreg $0xFFFFFFFF  }
0xc7: {  	_ =	task.clear_ibuf [dreg:s10], $0x2FFFF;
	_ =	strace $0x9FFFFFFF  }
0xc8: {  	(tm) =	ssettm $0x7FFFFFFF  }
0xc9: {  	_ =	shalt  }
tec
execute0_lowered:
.L_overlay_start_1:
0x0: {  	(tag) =	ssettag $0x1  }
0x1: {  	s1 =	srdreg.scid  }
0x2: {  	s0 =	stileid.u32;
	s8 =	rddreg [dreg:$0x0]  }
0x3: {  	s3 =	rddreg [dreg:$0x2];
	s10 =	sand.u32 $0x1, s1;
	s25 =	sshll.u32 s0, $0x1  }
0x4: {  	s7 =	rddreg [dreg:$0x3];
	s11 =	sor.u32 s10, s25  }
0x5: {  	s12 =	rddreg [dreg:$0x4];
	s5 =	simm.s32 $0x0;
	s1 =	smul.u32 $0x56, s11  }
0x6: {  	s17 =	simm.s32 $0x0;
	[smem:$0x7FF] =	sst s5;
	s14 =	ssub.s32 $0x2, s10  }
0x7: {  	p1 =	seq.s32 s0, $0xF;
	s15 =	sshrl.u32 s14, $0x1;
	s6 =	sshrl.u32 s1, $0x8  }
0x8: {  	p0 =	seq.s32 s10, $0x1;
	s14 =	ssub.s32 s14, s15;
	s2 =	smul.u32 $0x3, s6  }
0x9: {  	s15 =	simm.s32 $0xD400;
	s1 =	rddreg [dreg:$0x1];
	s26 =	smul.u32 $0x27400, s6  }
0xa: {  	s16 =	smul.u32 $0x4E80, s6;
	s2 =	ssub.s32 s11, s2;
	s11 =	sadd.s32 $0xFFFFFFE2, s11  }
0xb: {  	s13 =	sshll.u32 s6, $0xC;
	s4 =	sand.u32 $0xFF, s2;
	s31 =	smul.u32 $0x2780, s11  }
0xc: {  	s10 =	sadd.s32 $0x13C0, s1;
	s2 =	rddreg [dreg:$0x5];
	s9 =	smul.u32 $0xA000, s4  }
0xd: {  	_ =	strace $0x80000047;
	s30 =	sshll.u32 s11, $0x9;
	s29 =	smul.u32 $0x1A80, s4  }
.Ltmp0:
0xe: {  	s11 =	sadd.s32 s12, s30;
	s12 =	smax.u32 s14, $0x1;
	(pc) =	sbr.rel .LBB2_1-.Ltmp0, $4  }
0xf: {  	s14 =	simm.s32 $0x1;
	s9 =	sadd.s32 s13, s9;
	s13 =	sshrl.u32 s26, $0x3  }
0x10: {  	s9 =	sshrl.u32 s9, $0x3;
	s28 =	sadd.s32 s8, s13;
	s8 =	sadd.s32 s8, s16  }
0x11: {  	s13 =	simm.s32 $0x17200;
	s16 =	simm.s32 $0x17400;
	s9 =	sadd.s32 s9, s7  }
0x12: {  	v1 =	vmov s31;
	v0 =	vmov s29;
	s6 =	sadd.s32 $0x3500, s28;
	s7 =	sadd.s32 $0x1A80, s28;
	s9 =	sadd.s32 $0x1800, s9  }
.LBB2_7:
0x13: {  	s18 =	smov.u32 s9  }
.LBB2_11:
0x14: {  	s17 =	sadd.s32 $0x1, s17  }
0x15: {  	p2 =	sne.s32 s17, s12  }
.Ltmp1:
0x16: {  	_ = 	snop;
	(pc) =	sbr.rel @!p2 .LBB2_12-.Ltmp1, $4  }
0x17: {  	[hbm4b:s18+s5] =	stream.linear.scatter [tilespmem:s16], [sflag:$0x1], $0x1000, $0x38;
	[tilespmem:$0x18400] =	vst v63  }
0x18: {  	_ =	swait.ge [sflag:s14], $0x1000  }
0x19: {  	[sflag:s14] =	ssyncset.done $0x0  }
0x1a: {  	[sflag:s14] =	ssyncadd.s32 $0xFFFFF000  }
.LBB2_1:
.Ltmp2:
0x1b: {  	(pc) =	sbr.rel @!p1 .LBB2_2-.Ltmp2, $4  }
0x1c: {  	[tilespmem:s13], [sflag:$0x1] =	stream.linear.gather [hbm4b:s3+s5], $0x200, $0x38;
	[tilespmem:$0x18400] =	vst v63  }
0x1d: {  	_ =	swait.ge [sflag:s14], $0x200  }
0x1e: {  	[sflag:s14] =	ssyncset.done $0x0  }
0x1f: {  	[sflag:s14] =	ssyncadd.s32 $0xFFFFFE00  }
0x20: {  	s18 =	simm.s32 @p0 $0x0;
	s19 =	simm.s32 @p0 $0xD400  }
0x21: {  	[tilespmem:s19], [sflag:$0x1] =	stream.linear.gather @p0 [hbm4b:s10+s18], $0x9A00, $0x38;
	[tilespmem:$0x18400] =	vst v63  }
0x22: {  	s18 =	simm.s32 @p0 $0x1  }
0x23: {  	_ =	swait.ge @p0 [sflag:s18], $0x9A00  }
0x24: {  	[sflag:s18] =	ssyncset.done @p0 $0x0  }
0x25: {  	s19 =	simm.s32 @!p0 $0xD400;
	[sflag:s18] =	ssyncadd.s32 @p0 $0xFFFF6600;
	s18 =	simm.s32 @!p0 $0x0  }
0x26: {  	[tilespmem:s19], [sflag:$0x1] =	stream.linear.gather @!p0 [hbm4b:s1+s18], $0x9E00, $0x38;
	[tilespmem:$0x18400] =	vst v63  }
0x27: {  	s18 =	simm.s32 @!p0 $0x1  }
0x28: {  	s20 =	simm.s32 $0x17200;
	s19 =	simm.s32 @!p0 $0x2780;
	_ =	swait.ge @!p0 [sflag:s18], $0x9E00  }
0x29: {  	s21 =	simm.s32 $0x0;
	s19 =	simm.s32 @p0 $0x2680;
	[sflag:s18] =	ssyncset.done @!p0 $0x0  }
0x2a: {  	v2 =	vmov s19;
	s19 =	simm.s32 $0x0;
	[sflag:s18] =	ssyncadd.s32 @!p0 $0xFFFF6200;
	s18 =	simm.s32 $0xFFFFFFFE  }
.LBB2_9:
0x2b: {  	v3 =	vld [tilespmem:s20+$0x0];
	_ =	sdelay $0x4  }
0x2c: {  	v3 =	vsub.s32 v3, v1  }
0x2d: {  	vm0 =	vgt.s32 v3, $0xFFFFFFFF;
	vm1 =	vlt.s32 v3, v2  }
0x2e: {  	vm0 =	vmand vm0, vm1  }
0x2f: {  	v3 =	vnsel vm0, $0x0, v3  }
0x30: {  	v4 =	vshll.u32 v3, $0x2  }
0x31: {  	v3 =	vand.u32 $0x7F, v3;
	v4 =	vand.u32 $0xFFFFFE00, v4  }
0x32: {  	v3 =	vor.u32 v3, v4;
	_ =	sdelay $0x4  }
0x33: {  	v4 =	vld.idx.msk [tilespmem:v3+s15+$0x0], $0xffff;
	_ =	sdelay $0x1  }
0x34: {  	v5 =	vor.u32 $0x80, v3  }
0x35: {  	s22 =	sand.u32 $0xC00, s21  }
0x36: {  	s23 =	sand.u32 $0x60, s19;
	s22 =	sadd.s32 $0x17400, s22  }
0x37: {  	s24 =	sor.u32 s23, s22;
	v4 =	vnsel vm0, $0x0, v4  }
0x38: {  	[tilespmem:s24+$0x0] =	vst v4  }
0x39: {  	v4 =	vld.idx.msk [tilespmem:v5+s15+$0x0], $0xffff;
	_ =	sdelay $0x1  }
0x3a: {  	v60 =	vor.u32 $0x100, v3;
	_ =	sdelay $0x2  }
0x3b: {  	v4 =	vnsel vm0, $0x0, v4  }
0x3c: {  	[tilespmem:s24+$0x80] =	vst v4  }
0x3d: {  	v4 =	vld.idx.msk [tilespmem:v60+s15+$0x0], $0xffff;
	_ =	sdelay $0x1  }
0x3e: {  	v3 =	vor.u32 $0x180, v3;
	_ =	sdelay $0x2  }
0x3f: {  	v4 =	vnsel vm0, $0x0, v4  }
0x40: {  	[tilespmem:s24+$0x100] =	vst v4  }
0x41: {  	v3 =	vld.idx.msk [tilespmem:v3+s15+$0x0], $0xffff;
	_ =	sdelay $0x4  }
0x42: {  	s25 =	sand.u32 $0x180, s19;
	s23 =	sor.u32 $0x10, s23;
	v3 =	vnsel vm0, $0x0, v3  }
0x43: {  	s31 =	sor.u32 s23, s25;
	[tilespmem:s24+$0x180] =	vst v3  }
0x44: {  	v3 =	vld [tilespmem:s31+$0x17200];
	_ =	sdelay $0x4  }
0x45: {  	v3 =	vsub.s32 v3, v1  }
0x46: {  	vm14 =	vgt.s32 v3, $0xFFFFFFFF;
	vm15 =	vlt.s32 v3, v2  }
0x47: {  	vm0 =	vmand vm14, vm15  }
0x48: {  	v3 =	vnsel vm0, $0x0, v3  }
0x49: {  	v61 =	vshll.u32 v3, $0x2  }
0x4a: {  	v3 =	vand.u32 $0x7F, v3;
	v4 =	vand.u32 $0xFFFFFE00, v61  }
0x4b: {  	v3 =	vor.u32 v3, v4;
	_ =	sdelay $0x4  }
0x4c: {  	v4 =	vld.idx.msk [tilespmem:v3+s15+$0x0], $0xffff;
	_ =	sdelay $0x1  }
0x4d: {  	v62 =	vor.u32 $0x80, v3;
	_ =	sdelay $0x2  }
0x4e: {  	s22 =	sor.u32 s23, s22;
	v4 =	vnsel vm0, $0x0, v4  }
0x4f: {  	[tilespmem:s22+$0x0] =	vst v4  }
0x50: {  	v4 =	vld.idx.msk [tilespmem:v62+s15+$0x0], $0xffff;
	_ =	sdelay $0x1  }
0x51: {  	v63 =	vor.u32 $0x100, v3;
	_ =	sdelay $0x2  }
0x52: {  	v4 =	vnsel vm0, $0x0, v4  }
0x53: {  	[tilespmem:s22+$0x80] =	vst v4  }
0x54: {  	v4 =	vld.idx.msk [tilespmem:v63+s15+$0x0], $0xffff;
	_ =	sdelay $0x1  }
0x55: {  	v3 =	vor.u32 $0x180, v3;
	_ =	sdelay $0x2  }
0x56: {  	v4 =	vnsel vm0, $0x0, v4  }
0x57: {  	[tilespmem:s22+$0x100] =	vst v4  }
0x58: {  	s18 =	sadd.s32 $0x2, s18;
	v3 =	vld.idx.msk [tilespmem:v3+s15+$0x0], $0xffff  }
0x59: {  	p2 =	slt.u32 s18, $0x1E  }
.Ltmp3:
0x5a: {  	_ = 	snop;
	(pc) =	sbr.rel @p2 .LBB2_9-.Ltmp3, $3  }
0x5b: {  	_ =	sdelay $0x1  }
0x5c: {  	v3 =	vnsel vm0, $0x0, v3  }
0x5d: {  	s21 =	sadd.s32 $0x100, s21;
	s19 =	sadd.s32 $0x20, s19;
	s20 =	sadd.s32 $0x20, s20;
	[tilespmem:s22+$0x180] =	vst v3  }
.Ltmp4:
0x5e: {  	(pc) =	sbr.rel .LBB2_11-.Ltmp4, $2  }
0x5f: {  	_ =	sdelay $0x2  }
0x60: {  	s18 =	smov.u32 s11  }
.LBB2_2:
0x61: {  	p2 =	seq.s32 s4, $0x2  }
.Ltmp5:
0x62: {  	_ = 	snop;
	(pc) =	sbr.rel @p2 .LBB2_4-.Ltmp5, $1  }
0x63: {  	_ =	sdelay $0x3  }
0x64: {  	p2 =	seq.s32 s4, $0x1  }
0x65: {  	[tilespmem:s5], [sflag:$0x1] =	stream.linear.gather @p2 [hbm4b:s7+s5], $0xD400, $0x38;
	[tilespmem:$0x18400] =	vst v63  }
.Ltmp6:
0x66: {  	_ = 	snop;
	(pc) =	sbr.rel .LBB2_5-.Ltmp6, $4  }
0x67: {  	[tilespmem:s5], [sflag:$0x1] =	stream.linear.gather @!p2 [hbm4b:s8+s5], $0xD400, $0x38;
	[tilespmem:$0x18400] =	vst v63  }
0x68: {  	_ =	swait.ge [sflag:s14], $0xD400  }
0x69: {  	[sflag:s14] =	ssyncset.done $0x0  }
0x6a: {  	s20 =	simm.s32 $0x1A80;
	[sflag:s14] =	ssyncadd.s32 $0xFFFF2C00  }
.LBB2_4:
0x6b: {  	[tilespmem:s5], [sflag:$0x1] =	stream.linear.gather [hbm4b:s6+s5], $0xC800, $0x38;
	[tilespmem:$0x18400] =	vst v63  }
0x6c: {  	_ =	swait.ge [sflag:s14], $0xC800  }
0x6d: {  	[sflag:s14] =	ssyncset.done $0x0  }
0x6e: {  	s20 =	simm.s32 $0x1900;
	[sflag:s14] =	ssyncadd.s32 $0xFFFF3800  }
.LBB2_5:
0x6f: {  	s18 =	simm.s32 $0xFFFFFFFE;
	s19 =	simm.s32 $0x0  }
0x70: {  	v2 =	vmov s20;
	s20 =	simm.s32 $0x17200;
	s21 =	simm.s32 $0x0;
	s22 =	simm.s32 $0x0  }
.LBB2_6:
0x71: {  	v3 =	vld [tilespmem:s20+$0x0];
	_ =	sdelay $0x4  }
0x72: {  	v3 =	vsub.s32 v3, v0  }
0x73: {  	vm0 =	vgt.s32 v3, $0xFFFFFFFF;
	vm1 =	vlt.s32 v3, v2  }
0x74: {  	vm0 =	vmand vm0, vm1  }
0x75: {  	v3 =	vnsel vm0, $0x0, v3  }
0x76: {  	v4 =	vshll.u32 v3, $0x3  }
0x77: {  	v3 =	vand.u32 $0x7F, v3;
	v4 =	vand.u32 $0xFFFFFC00, v4  }
0x78: {  	v3 =	vor.u32 v3, v4;
	_ =	sdelay $0x4  }
0x79: {  	v4 =	vld.idx.msk [tilespmem:v3+s5+$0x0], $0xffff;
	_ =	sdelay $0x1  }
0x7a: {  	v5 =	vor.u32 $0x80, v3  }
0x7b: {  	s23 =	sand.u32 $0xC00, s22  }
0x7c: {  	s24 =	sand.u32 $0x60, s19;
	s23 =	sadd.s32 $0x17400, s23  }
0x7d: {  	s25 =	sor.u32 s24, s23;
	v4 =	vnsel vm0, $0x0, v4  }
0x7e: {  	[tilespmem:s25+$0x0] =	vst v4  }
0x7f: {  	v4 =	vld.idx.msk [tilespmem:v5+s5+$0x0], $0xffff;
	_ =	sdelay $0x1  }
0x80: {  	v52 =	vor.u32 $0x100, v3;
	_ =	sdelay $0x2  }
0x81: {  	v4 =	vnsel vm0, $0x0, v4  }
0x82: {  	[tilespmem:s25+$0x80] =	vst v4  }
0x83: {  	v4 =	vld.idx.msk [tilespmem:v52+s5+$0x0], $0xffff;
	_ =	sdelay $0x1  }
0x84: {  	v53 =	vor.u32 $0x180, v3;
	_ =	sdelay $0x2  }
0x85: {  	v4 =	vnsel vm0, $0x0, v4  }
0x86: {  	[tilespmem:s25+$0x100] =	vst v4  }
0x87: {  	v4 =	vld.idx.msk [tilespmem:v53+s5+$0x0], $0xffff;
	_ =	sdelay $0x1  }
0x88: {  	v54 =	vor.u32 $0x200, v3;
	_ =	sdelay $0x2  }
0x89: {  	v4 =	vnsel vm0, $0x0, v4  }
0x8a: {  	[tilespmem:s25+$0x180] =	vst v4  }
0x8b: {  	v4 =	vld.idx.msk [tilespmem:v54+s5+$0x0], $0xffff;
	_ =	sdelay $0x1  }
0x8c: {  	v55 =	vor.u32 $0x280, v3;
	_ =	sdelay $0x2  }
0x8d: {  	v4 =	vnsel vm0, $0x0, v4  }
0x8e: {  	[tilespmem:s25+$0x200] =	vst v4  }
0x8f: {  	v4 =	vld.idx.msk [tilespmem:v55+s5+$0x0], $0xffff;
	_ =	sdelay $0x1  }
0x90: {  	v56 =	vor.u32 $0x300, v3;
	_ =	sdelay $0x2  }
0x91: {  	v4 =	vnsel vm0, $0x0, v4  }
0x92: {  	[tilespmem:s25+$0x280] =	vst v4  }
0x93: {  	v4 =	vld.idx.msk [tilespmem:v56+s5+$0x0], $0xffff;
	_ =	sdelay $0x1  }
0x94: {  	s26 =	sand.u32 $0x3, s21;
	v3 =	vor.u32 $0x380, v3  }
0x95: {  	s25 =	sshll.u32 s26, $0x5  }
0x96: {  	s25 =	sadd.s32 s25, s22  }
0x97: {  	s26 =	sor.u32 $0x300, s25;
	v4 =	vnsel vm0, $0x0, v4  }
0x98: {  	[tilespmem:s26+$0x17400] =	vst v4  }
0x99: {  	v3 =	vld.idx.msk [tilespmem:v3+s5+$0x0], $0xffff;
	_ =	sdelay $0x3  }
0x9a: {  	s28 =	sor.u32 s22, s19  }
0x9b: {  	s24 =	sor.u32 $0x10, s24;
	s26 =	sor.u32 $0x380, s28;
	s28 =	sand.u32 $0x180, s19;
	v3 =	vnsel vm0, $0x0, v3  }
0x9c: {  	s29 =	sor.u32 s24, s28;
	[tilespmem:s26+$0x17400] =	vst v3  }
0x9d: {  	v3 =	vld [tilespmem:s29+$0x17200];
	_ =	sdelay $0x4  }
0x9e: {  	v3 =	vsub.s32 v3, v0  }
0x9f: {  	vm14 =	vgt.s32 v3, $0xFFFFFFFF;
	vm15 =	vlt.s32 v3, v2  }
0xa0: {  	vm0 =	vmand vm14, vm15  }
0xa1: {  	v3 =	vnsel vm0, $0x0, v3  }
0xa2: {  	v57 =	vshll.u32 v3, $0x3  }
0xa3: {  	v3 =	vand.u32 $0x7F, v3;
	v4 =	vand.u32 $0xFFFFFC00, v57  }
0xa4: {  	v3 =	vor.u32 v3, v4;
	_ =	sdelay $0x4  }
0xa5: {  	v4 =	vld.idx.msk [tilespmem:v3+s5+$0x0], $0xffff;
	_ =	sdelay $0x1  }
0xa6: {  	v58 =	vor.u32 $0x80, v3;
	_ =	sdelay $0x2  }
0xa7: {  	s23 =	sor.u32 s24, s23;
	v4 =	vnsel vm0, $0x0, v4  }
0xa8: {  	[tilespmem:s23+$0x0] =	vst v4  }
0xa9: {  	v4 =	vld.idx.msk [tilespmem:v58+s5+$0x0], $0xffff;
	_ =	sdelay $0x1  }
0xaa: {  	v59 =	vor.u32 $0x100, v3;
	_ =	sdelay $0x2  }
0xab: {  	v4 =	vnsel vm0, $0x0, v4  }
0xac: {  	[tilespmem:s23+$0x80] =	vst v4  }
0xad: {  	v4 =	vld.idx.msk [tilespmem:v59+s5+$0x0], $0xffff;
	_ =	sdelay $0x1  }
0xae: {  	v60 =	vor.u32 $0x180, v3;
	_ =	sdelay $0x2  }
0xaf: {  	v4 =	vnsel vm0, $0x0, v4  }
0xb0: {  	[tilespmem:s23+$0x100] =	vst v4  }
0xb1: {  	v4 =	vld.idx.msk [tilespmem:v60+s5+$0x0], $0xffff;
	_ =	sdelay $0x1  }
0xb2: {  	v61 =	vor.u32 $0x200, v3;
	_ =	sdelay $0x2  }
0xb3: {  	v4 =	vnsel vm0, $0x0, v4  }
0xb4: {  	[tilespmem:s23+$0x180] =	vst v4  }
0xb5: {  	v4 =	vld.idx.msk [tilespmem:v61+s5+$0x0], $0xffff;
	_ =	sdelay $0x1  }
0xb6: {  	v62 =	vor.u32 $0x280, v3;
	_ =	sdelay $0x2  }
0xb7: {  	v4 =	vnsel vm0, $0x0, v4  }
0xb8: {  	[tilespmem:s23+$0x200] =	vst v4  }
0xb9: {  	v4 =	vld.idx.msk [tilespmem:v62+s5+$0x0], $0xffff;
	_ =	sdelay $0x1  }
0xba: {  	v63 =	vor.u32 $0x300, v3;
	_ =	sdelay $0x2  }
0xbb: {  	v4 =	vnsel vm0, $0x0, v4  }
0xbc: {  	[tilespmem:s23+$0x280] =	vst v4  }
0xbd: {  	v4 =	vld.idx.msk [tilespmem:v63+s5+$0x0], $0xffff;
	_ =	sdelay $0x1  }
0xbe: {  	v3 =	vor.u32 $0x380, v3;
	_ =	sdelay $0x1  }
0xbf: {  	s30 =	sadd.s32 $0x10, s25  }
0xc0: {  	s31 =	sor.u32 $0x300, s30;
	v4 =	vnsel vm0, $0x0, v4  }
0xc1: {  	[tilespmem:s31+$0x17400] =	vst v4  }
0xc2: {  	s18 =	sadd.s32 $0x2, s18;
	v3 =	vld.idx.msk [tilespmem:v3+s5+$0x0], $0xffff  }
0xc3: {  	p2 =	slt.u32 s18, $0x1E  }
.Ltmp7:
0xc4: {  	_ = 	snop;
	(pc) =	sbr.rel @p2 .LBB2_6-.Ltmp7, $3  }
0xc5: {  	_ =	sdelay $0x1  }
0xc6: {  	s21 =	sadd.s32 $0x1, s21;
	s23 =	sor.u32 $0x380, s30;
	v3 =	vnsel vm0, $0x0, v3  }
0xc7: {  	s20 =	sadd.s32 $0x20, s20;
	s22 =	sadd.s32 $0x100, s22;
	s19 =	sadd.s32 $0x20, s19;
	[tilespmem:s23+$0x17400] =	vst v3  }
.Ltmp8:
0xc8: {  	_ = 	snop;
	(pc) =	sbr.rel .LBB2_7-.Ltmp8, $1  }
0xc9: {  	_ =	sdelay $0x3  }
.LBB2_12:
0xca: {  	_ =	sfence.sel $0x180000  }
0xcb: {  	[bflag:$0x0] =	sbarrier.arrive $0xFFFF  }
0xcc: {  	p0 =	sne.s32 s0, $0x0;
	_ =	strace $0x90000047  }
0xcd: {  	s0 =	sadd.s32 @!p0 $0x100000, s2;
	[bflag:$0x2] =	sbarrier.arrive $0xFFFF  }
0xce: {  	[sflag:s0] =	ssyncadd.tile.s32 @!p0 $0x1;
	_ =	shalt  }
.Lfunc_end2:
_tile_overlayer_lowered:
.L_overlay_start_2:
0xcf: {  	(tag) =	ssettag $0x2  }
0xd0: {  	s0 =	rddreg [dreg:$0x0];
	s2 =	stileid.u32  }
0xd1: {  	s1 =	rddreg [dreg:$0x1];
	p0 =	sne.s32 s2, $0x0  }
0xd2: {  	s3 =	rddreg [dreg:$0x2];
	[bflag:$0x3] =	sbarrier.arrive $0xFFFF;
	s2 =	simm.s32 @!p0 $0x1C01  }
0xd3: {  	[timem:s3], [sflag:s2] =	dma.local @!p0 [hbm:s0], s1  }
0xd4: {  	s0 =	simm.s32 @!p0 $0x1  }
0xd5: {  	_ =	swait.ge @!p0 [sflag:s0], s1  }
0xd6: {  	s1 =	ssub.s32 @!p0 $0x0, s1;
	[sflag:s0] =	ssyncset.done @!p0 $0x0  }
0xd7: {  	[sflag:s0] =	ssyncadd.s32 @!p0 s1  }
0xd8: {  	[bflag:$0x3] =	sbarrier.arrive $0xFFFF  }
0xd9: {  	_ =	shalt  }

// kernel: kernel.8.cloned.1.call-start
scs
__scs_entry_jumppad:
0x0: {  	(pc) =	sbr.rel $0x88, $3  }
0x1: {  	(tag) =	ssettag $0x0;
	lr =	simm.s32 $0x1  }
0x2: {  	[smem:$0x3F9C] =	sst lr;
	_ =	strace $0xD0000000  }
0x3: {  	_ = 	snop  }
0x4: {  	_ = 	snop  }
0x5: {  	_ = 	snop  }
0x6: {  	_ = 	snop  }
0x7: {  	_ = 	snop  }
__scs_overlays_trampoline_lowered:
0x8: {  	[smem:$0x3FAB] =	sst s0  }
0x9: {  	[smem:$0x3FAC] =	sst s1  }
0xa: {  	[smem:$0x3FAD] =	sst s2  }
0xb: {  	[smem:$0x3FAE] =	sst s3  }
0xc: {  	[smem:$0x3FAF] =	sst s4  }
0xd: {  	[smem:$0x3FB0] =	sst s5  }
0xe: {  	[smem:$0x3FB1] =	sst s6  }
0xf: {  	[smem:$0x3FB2] =	sst s7  }
0x10: {  	[smem:$0x3FB3] =	sst s8  }
0x11: {  	[smem:$0x3FB4] =	sst s9;
	s0 =	simm.s32 @!p0 $0x0  }
0x12: {  	s1 =	sld [smem:$0x3F9A];
	s0 =	simm.s32 @p0 $0x1  }
0x13: {  	[smem:$0x3FB5] =	sst s0;
	s0 =	simm.s32 @!p1 $0x0  }
0x14: {  	s2 =	sld [smem:$0x3F99];
	s0 =	simm.s32 @p1 $0x1  }
0x15: {  	[smem:$0x3FB6] =	sst s0;
	s0 =	simm.s32 @!p2 $0x0  }
0x16: {  	s3 =	sld [smem:$0x3FDB];
	s0 =	simm.s32 @p2 $0x1  }
0x17: {  	s4 =	simm.s32 $0x1BF5;
	[smem:$0x3FB8] =	sst s0  }
0x18: {  	s0 =	sld [smem:$0x3F9B];
	_ =	swait.ge [sflag:s4], $0x0  }
0x19: {  	s7 =	sld [smem:$0x3F9C]  }
0x1a: {  	s8 =	sadd.s32 $0xFFFFE003, lr  }
0x1b: {  	s9 =	sadd.s32 $0xFFFFFEF7, lr;
	s5 =	simm.s32 $0xFFFFFFFF;
	p2 =	slt.u32 s8, $0xFFFFF086  }
0x1c: {  	p1 =	slt.u32 s9, $0xF7A;
	s5 =	simm.s32 @!p2 $0x0  }
0x1d: {  	s5 =	simm.s32 @p1 $0x1;
	p0 =	seq.s32 s7, s2  }
0x1e: {  	s7 =	smul.u32 @!p0 $0xF7A, s2;
	p2 =	seq.s32 @!p0 s5, $0x0  }
0x1f: {  	s9 =	smul.u32 $0xF7A, s1;
	s8 =	simm.s32 @!p0 $0x1BF5;
	p2 =	por !p2, p0  }
0x20: {  	[sflag:s8] =	ssyncset.s32 @!p0 $0xFFFFF086;
	s6 =	sadd.s32 @!p0 s3, s7;
	s7 =	simm.s32 @!p0 $0x108  }
0x21: {  	s3 =	sadd.s32 s3, s9;
	s6 =	sadd.s32 @!p0 $0x88, s6;
	s7 =	simm.s32 @p2 $0x1082  }
0x22: {  	[simem:s7], [sflag:s8] =	dma.local @!p0 [hbm:s6], $0xF7A  }
0x23: {  	s9 =	sor.u32 $0xD0000000, s2;
	s6 =	simm.s32 $0x108;
	_ =	swait.ge @!p0 [sflag:s8], $0x0  }
0x24: {  	s3 =	sadd.s32 $0x88, s3;
	s6 =	simm.s32 @!p1 $0x1082;
	[sflag:s4] =	ssyncset.s32 $0xFFFFF086  }
0x25: {  	[simem:s6], [sflag:s4] =	dma.local [hbm:s3], $0xF7A  }
0x26: {  	[smem:$0x3F9C] =	sst s1;
	(tag) =	ssettag s2;
	_ =	strace s9  }
0x27: {  	s1 =	sld [smem:$0x3FAC]  }
0x28: {  	s2 =	sld [smem:$0x3FAD]  }
0x29: {  	s4 =	sld [smem:$0x3FAF]  }
0x2a: {  	p0 =	seq.s32 s5, $0x0;
	s5 =	sld [smem:$0x3FB0]  }
0x2b: {  	s6 =	sld [smem:$0x3FB1]  }
0x2c: {  	s7 =	sld [smem:$0x3FB2]  }
0x2d: {  	s3 =	simm.s32 $0x108;
	s8 =	sld [smem:$0x3FB3]  }
0x2e: {  	s3 =	simm.s32 @!p0 $0x1082;
	s9 =	sld [smem:$0x3FB4]  }
0x2f: {  	lr =	sadd.s32 s0, s3;
	s0 =	sld [smem:$0x3FAB]  }
0x30: {  	s3 =	sld [smem:$0x3FAE]  }
0x31: {  	[smem:$0x3FB7] =	sst s10  }
0x32: {  	s10 =	sld [smem:$0x3FB5];
	_ =	sdelay $0x3  }
0x33: {  	p0 =	seq.s32 s10, $0x1;
	s10 =	sld [smem:$0x3FB7];
	_ =	sdelay $0x3  }
0x34: {  	[smem:$0x3FB7] =	sst s10  }
0x35: {  	s10 =	sld [smem:$0x3FB6];
	_ =	sdelay $0x3  }
0x36: {  	p1 =	seq.s32 s10, $0x1;
	s10 =	sld [smem:$0x3FB7];
	_ =	sdelay $0x3  }
0x37: {  	[smem:$0x3FB7] =	sst s10  }
0x38: {  	s10 =	sld [smem:$0x3FB8]  }
0x39: {  	_ = 	snop;
	(pc) =	sbr.ind lr, $3  }
0x3a: {  	_ = 	snop  }
0x3b: {  	_ = 	snop  }
0x3c: {  	p2 =	seq.s32 s10, $0x1;
	s10 =	sld [smem:$0x3FB7]  }
0x3d: {  	_ =	shalt  }
0x3e: {  	_ =	shalt  }
0x3f: {  	_ =	shalt  }
0x40: {  	_ =	shalt  }
0x41: {  	_ =	shalt  }
0x42: {  	_ =	shalt  }
0x43: {  	_ =	shalt  }
0x44: {  	_ =	shalt  }
0x45: {  	_ =	shalt  }
0x46: {  	_ =	shalt  }
0x47: {  	_ =	shalt  }
0x48: {  	_ =	shalt  }
0x49: {  	_ =	shalt  }
0x4a: {  	_ =	shalt  }
0x4b: {  	_ =	shalt  }
0x4c: {  	_ =	shalt  }
0x4d: {  	_ =	shalt  }
0x4e: {  	_ =	shalt  }
0x4f: {  	_ =	shalt  }
0x50: {  	_ =	shalt  }
0x51: {  	_ =	shalt  }
0x52: {  	_ =	shalt  }
0x53: {  	_ =	shalt  }
0x54: {  	_ =	shalt  }
0x55: {  	_ =	shalt  }
0x56: {  	_ =	shalt  }
0x57: {  	_ =	shalt  }
0x58: {  	_ =	shalt  }
0x59: {  	_ =	shalt  }
0x5a: {  	_ =	shalt  }
0x5b: {  	_ =	shalt  }
0x5c: {  	_ =	shalt  }
0x5d: {  	_ =	shalt  }
0x5e: {  	_ =	shalt  }
0x5f: {  	_ =	shalt  }
0x60: {  	_ =	shalt  }
0x61: {  	_ =	shalt  }
0x62: {  	_ =	shalt  }
0x63: {  	_ =	shalt  }
0x64: {  	_ =	shalt  }
0x65: {  	_ =	shalt  }
0x66: {  	_ =	shalt  }
0x67: {  	_ =	shalt  }
0x68: {  	_ =	shalt  }
0x69: {  	_ =	shalt  }
0x6a: {  	_ =	shalt  }
0x6b: {  	_ =	shalt  }
0x6c: {  	_ =	shalt  }
0x6d: {  	_ =	shalt  }
0x6e: {  	_ =	shalt  }
0x6f: {  	_ =	shalt  }
0x70: {  	_ =	shalt  }
0x71: {  	_ =	shalt  }
0x72: {  	_ =	shalt  }
0x73: {  	_ =	shalt  }
0x74: {  	_ =	shalt  }
0x75: {  	_ =	shalt  }
0x76: {  	_ =	shalt  }
0x77: {  	_ =	shalt  }
0x78: {  	_ =	shalt  }
0x79: {  	_ =	shalt  }
0x7a: {  	_ =	shalt  }
0x7b: {  	_ =	shalt  }
0x7c: {  	_ =	shalt  }
0x7d: {  	_ =	shalt  }
0x7e: {  	_ =	shalt  }
0x7f: {  	_ =	shalt  }
0x80: {  	_ =	shalt  }
0x81: {  	_ =	shalt  }
0x82: {  	_ =	shalt  }
0x83: {  	_ =	shalt  }
0x84: {  	_ =	shalt  }
0x85: {  	_ =	shalt  }
0x86: {  	_ =	shalt  }
0x87: {  	_ =	shalt  }
.Lfunc_end0:
.L_simem_size_0:
called_computation.1_lowered:
.L_overlay_start_0:
0x88: {  	s2 =	sld [smem:$0x3FD9]  }
0x89: {  	s3 =	sld [smem:$0x3FFE];
	_ =	sdelay $0x1  }
0x8a: {  	s1 =	srdreg.scid  }
0x8b: {  	s0 =	sand.u32 $0x1, s1  }
0x8c: {  	s17 =	sshll.u32 s0, $0xA;
	s2 =	sadd.s32 s3, s2  }
0x8d: {  	s2 =	sadd.s32 s2, s17  }
0x8e: {  	[smem:$0x3FC3] =	sst s2  }
0x8f: {  	_ = 	snop  }
0x90: {  	s2 =	sld [smem:$0x3FC6]  }
0x91: {  	s18 =	sld [smem:$0x3FD0];
	(tm) =	ssettm $0x1  }
0x92: {  	s4 =	sld [smem:$0x3FFB];
	_ =	sdelay $0x3  }
0x93: {  	_ =	strace s4  }
0x94: {  	s4 =	sld [smem:$0x3FFC];
	_ =	sdelay $0x3  }
0x95: {  	_ =	strace s4  }
0x96: {  	s4 =	sld [smem:$0x3FFD];
	_ =	sdelay $0x3  }
0x97: {  	_ =	strace s4  }
0x98: {  	_ =	strace $0x8FFFFFFF  }
0x99: {  	s19 =	sld [smem:$0x3FDB];
	_ =	sdelay $0x1  }
0x9a: {  	s5 =	simm.s32 $_scs_section_size  }
0x9b: {  	s6 =	simm.s32 $_size__tile_overlayer_lowered;
	s7 =	simm.s32 $_tile_overlayer_lowered  }
0x9c: {  	s22 =	simm.s32 $0x1BFF;
	s21 =	sshll.u32 s7, $0x1;
	s4 =	sadd.s32 s5, s19  }
0x9d: {  	s8 =	simm.s32 $0x0;
	s20 =	sshll.u32 s6, $0x1;
	s6 =	sadd.s32 s21, s4  }
0x9e: {  	[timem:s8], [sflag:s22] =	dma.local [hbm:s6], s20  }
0x9f: {  	_ =	swait.ge [sflag:s22], s20  }
0xa0: {  	s5 =	ssub.s32 $0x0, s20;
	[sflag:s22] =	ssyncset.done $0x0  }
0xa1: {  	[sflag:s22] =	ssyncadd.s32 s5;
	_ =	sdelay $0x1  }
0xa2: {  	s23 =	simm.s32 $0x1B8B  }
0xa3: {  	_ =	swait.ge [sflag:s23], $0x1  }
0xa4: {  	[sflag:s23] =	ssyncset.done $0x0  }
0xa5: {  	s25 =	simm.s32 $0x1B8E;
	s24 =	sld [smem:$0x3FFE];
	[sflag:s23] =	ssyncadd.s32 $0xFFFFFFFF  }
0xa6: {  	s26 =	simm.s32 $execute0_lowered;
	[smem:$0x3FD2] =	sst s25  }
0xa7: {  	s6 =	sshll.u32 s26, $0x1;
	_ =	strace $0x80000049;
	[dreg:$0x1] =	wrdreg $0xFFFFFFFF  }
0xa8: {  	s28 =	simm.s32 $_size_execute0_lowered;
	s4 =	sadd.s32 s4, s6;
	[dreg:$0x0] =	wrdreg $0x0  }
0xa9: {  	s6 =	sshll.u32 s28, $0x1;
	[dreg:$0x2] =	wrdreg s4  }
0xaa: {  	[dreg:$0x3] =	wrdreg s6  }
0xab: {  	[dreg:$0x4] =	wrdreg $0xC0  }
0xac: {  	_ =	task [dreg:s8], $0x5FFFF  }
0xad: {  	[dreg:$0x1] =	wrdreg $0xFFFFFFFF  }
0xae: {  	[dreg:$0x0] =	wrdreg $0x60  }
0xaf: {  	[dreg:$0x2] =	wrdreg s2  }
0xb0: {  	[dreg:$0x3] =	wrdreg s24  }
0xb1: {  	[dreg:$0x4] =	wrdreg s18  }
0xb2: {  	[dreg:$0x5] =	wrdreg $0x9  }
0xb3: {  	_ =	task.clear_ibuf [dreg:s8], $0x6FFFF;
	_ =	strace $0x90000049  }
0xb4: {  	s29 =	simm.s32 $0x9;
	_ =	strace $0x8000004B  }
0xb5: {  	_ =	swait.ge [sflag:s29], $0x1  }
0xb6: {  	[sflag:s29] =	ssyncadd.s32 $0xFFFFFFFF  }
0xb7: {  	_ =	strace $0x9000004B  }
0xb8: {  	_ =	sfence  }
0xb9: {  	s30 =	sld [smem:$0x0];
	_ =	sdelay $0x2  }
0xba: {  	s31 =	sshll.u32 s1, $0xD;
	s1 =	sshrl.u32 s1, $0x2  }
0xbb: {  	s3 =	sand.u32 $0x4000, s31;
	s1 =	sadd.s32 s1, s30  }
0xbc: {  	s0 =	sor.u32 s3, s0;
	s1 =	sshll.u32 s1, $0x11  }
0xbd: {  	s0 =	sor.u32 s1, s0  }
0xbe: {  	s0 =	sadd.s32 $0x8F2B, s0  }
0xbf: {  	[sflag:s0] =	ssyncadd.remote.s32 $0x1  }
0xc0: {  	_ =	sfence.sel $0xFFFF  }
0xc1: {  	[dreg:$0x0] =	wrdreg $0xFFFFFFFF;
	(pc) =	sbr.abs _section_cstart, $3  }
0xc2: {  	[dreg:$0x1] =	wrdreg $0xFFFFFFFF  }
0xc3: {  	_ =	task.clear_ibuf [dreg:s8], $0x2FFFF;
	_ =	strace $0x9FFFFFFF  }
0xc4: {  	(tm) =	ssettm $0x7FFFFFFF  }
0xc5: {  	_ =	shalt  }
tec
execute0_lowered:
.L_overlay_start_1:
0x0: {  	(tag) =	ssettag $0x1  }
0x1: {  	s1 =	rddreg [dreg:$0x0]  }
0x2: {  	s4 =	rddreg [dreg:$0x1]  }
0x3: {  	s2 =	srdreg.scid;
	s0 =	stileid.u32  }
0x4: {  	s6 =	rddreg [dreg:$0x2];
	s5 =	sand.u32 $0x1, s2;
	s3 =	sshll.u32 s0, $0x1  }
0x5: {  	s2 =	rddreg [dreg:$0x3];
	s7 =	sor.u32 s5, s3  }
0x6: {  	p0 =	slt.u32 s0, $0x2;
	s3 =	simm.s32 $0x0;
	s8 =	smul.u32 $0x278, s7  }
0x7: {  	s5 =	ssub.s32 $0x2, s5;
	[smem:$0x7FF] =	sst s3;
	s7 =	smul.u32 $0x270, s7  }
0x8: {  	s4 =	sadd.s32 $0x1800, s4;
	s9 =	sshrl.u32 s5, $0x1;
	_ =	strace $0x8000004A  }
0x9: {  	s9 =	ssub.s32 s5, s9;
	s10 =	sadd.s32 $0x20, s7;
	s5 =	sadd.s32 $0x278, s8  }
0xa: {  	s11 =	sadd.s32 $0x290, s7;
	s31 =	sshrl.u32 s8, $0x3;
	s7 =	smax.u32 s9, $0x1  }
0xb: {  	s9 =	simm.s32 $0x1;
	s11 =	smov.u32 @p0 s5;
	s30 =	sshrl.u32 s10, $0x3  }
0xc: {  	s10 =	smov.u32 @p0 s8;
	p0 =	sgt.u32 s0, $0x1;
	s8 =	simm.s32 $0x280  }
0xd: {  	v2 =	vimm.f32 $0.0e+00;
	s5 =	sadd.s32 s6, s30;
	s6 =	sadd.s32 s6, s31;
	v0 =	vmov s10;
	v1 =	vmov s11;
	s10 =	simm.s32 $0x480  }
.LBB2_1:
0xe: {  	[tilespmem:$0x0] =	vst v2  }
0xf: {  	[tilespmem:$0x10] =	vst v2  }
0x10: {  	[tilespmem:$0x20] =	vst v2  }
0x11: {  	[tilespmem:$0x30] =	vst v2  }
0x12: {  	[tilespmem:$0x40] =	vst v2  }
0x13: {  	[tilespmem:$0x50] =	vst v2  }
0x14: {  	[tilespmem:$0x60] =	vst v2  }
0x15: {  	[tilespmem:$0x70] =	vst v2  }
0x16: {  	[tilespmem:$0x80] =	vst v2  }
0x17: {  	[tilespmem:$0x90] =	vst v2  }
0x18: {  	[tilespmem:$0xA0] =	vst v2  }
0x19: {  	[tilespmem:$0xB0] =	vst v2  }
0x1a: {  	[tilespmem:$0xC0] =	vst v2  }
0x1b: {  	[tilespmem:$0xD0] =	vst v2  }
0x1c: {  	[tilespmem:$0xE0] =	vst v2  }
0x1d: {  	[tilespmem:$0xF0] =	vst v2  }
0x1e: {  	[tilespmem:$0x100] =	vst v2  }
0x1f: {  	[tilespmem:$0x110] =	vst v2  }
0x20: {  	[tilespmem:$0x120] =	vst v2  }
0x21: {  	[tilespmem:$0x130] =	vst v2  }
0x22: {  	[tilespmem:$0x140] =	vst v2  }
0x23: {  	[tilespmem:$0x150] =	vst v2  }
0x24: {  	[tilespmem:$0x160] =	vst v2  }
0x25: {  	[tilespmem:$0x170] =	vst v2  }
0x26: {  	[tilespmem:$0x180] =	vst v2  }
0x27: {  	[tilespmem:$0x190] =	vst v2  }
0x28: {  	[tilespmem:$0x1A0] =	vst v2  }
0x29: {  	[tilespmem:$0x1B0] =	vst v2  }
0x2a: {  	[tilespmem:$0x1C0] =	vst v2  }
0x2b: {  	[tilespmem:$0x1D0] =	vst v2  }
0x2c: {  	[tilespmem:$0x1E0] =	vst v2  }
0x2d: {  	[tilespmem:$0x1F0] =	vst v2  }
0x2e: {  	[tilespmem:$0x200] =	vst v2  }
0x2f: {  	[tilespmem:$0x210] =	vst v2  }
0x30: {  	[tilespmem:$0x220] =	vst v2  }
0x31: {  	[tilespmem:$0x230] =	vst v2  }
0x32: {  	[tilespmem:$0x240] =	vst v2  }
0x33: {  	[tilespmem:$0x250] =	vst v2  }
0x34: {  	[tilespmem:$0x260] =	vst v2  }
0x35: {  	[tilespmem:$0x270] =	vst v2  }
0x36: {  	[tilespmem:s8], [sflag:$0x1] =	stream.linear.gather [hbm4b:s1+s3], $0x200, $0x38;
	[tilespmem:$0x680] =	vst v63  }
0x37: {  	_ =	swait.ge [sflag:s9], $0x200  }
0x38: {  	[sflag:s9] =	ssyncset.done $0x0  }
0x39: {  	[sflag:s9] =	ssyncadd.s32 $0xFFFFFE00  }
0x3a: {  	[tilespmem:s10], [sflag:$0x1] =	stream.linear.gather [hbm4b:s4+s3], $0x200, $0x38;
	[tilespmem:$0x680] =	vst v63  }
0x3b: {  	_ =	swait.ge [sflag:s9], $0x200  }
0x3c: {  	[sflag:s9] =	ssyncset.done $0x0  }
0x3d: {  	[sflag:s9] =	ssyncadd.s32 $0xFFFFFE00  }
0x3e: {  	v3 =	vld [tilespmem:$0x280];
	_ =	sdelay $0x4  }
0x3f: {  	vm0 =	vge.s32 v3, v0;
	vm1 =	vlt.s32 v3, v1  }
0x40: {  	v3 =	vsub.s32 v3, v0;
	vm0 =	vmand vm0, vm1  }
0x41: {  	v4 =	vld [tilespmem:$0x480];
	v3 =	vnsel vm0, $0x0, v3;
	_ =	sdelay $0x4  }
0x42: {  	[tilespmem:v3+s3+$0x0] =	vst.idx.msk vm0, v4  }
0x43: {  	v3 =	vld [tilespmem:$0x290];
	_ =	sdelay $0x4  }
0x44: {  	vm14 =	vge.s32 v3, v0;
	vm15 =	vlt.s32 v3, v1  }
0x45: {  	v3 =	vsub.s32 v3, v0;
	vm0 =	vmand vm14, vm15  }
0x46: {  	v4 =	vld [tilespmem:$0x490];
	v3 =	vnsel vm0, $0x0, v3;
	_ =	sdelay $0x4  }
0x47: {  	[tilespmem:v3+s3+$0x0] =	vst.idx.msk vm0, v4  }
0x48: {  	v3 =	vld [tilespmem:$0x2A0];
	_ =	sdelay $0x4  }
0x49: {  	vm4 =	vge.s32 v3, v0;
	vm5 =	vlt.s32 v3, v1  }
0x4a: {  	v3 =	vsub.s32 v3, v0;
	vm0 =	vmand vm4, vm5  }
0x4b: {  	v4 =	vld [tilespmem:$0x4A0];
	v3 =	vnsel vm0, $0x0, v3;
	_ =	sdelay $0x4  }
0x4c: {  	[tilespmem:v3+s3+$0x0] =	vst.idx.msk vm0, v4  }
0x4d: {  	v3 =	vld [tilespmem:$0x2B0];
	_ =	sdelay $0x4  }
0x4e: {  	vm6 =	vge.s32 v3, v0;
	vm7 =	vlt.s32 v3, v1  }
0x4f: {  	v3 =	vsub.s32 v3, v0;
	vm0 =	vmand vm6, vm7  }
0x50: {  	v4 =	vld [tilespmem:$0x4B0];
	v3 =	vnsel vm0, $0x0, v3;
	_ =	sdelay $0x4  }
0x51: {  	[tilespmem:v3+s3+$0x0] =	vst.idx.msk vm0, v4  }
0x52: {  	v3 =	vld [tilespmem:$0x2C0];
	_ =	sdelay $0x4  }
0x53: {  	vm8 =	vge.s32 v3, v0;
	vm9 =	vlt.s32 v3, v1  }
0x54: {  	v3 =	vsub.s32 v3, v0;
	vm0 =	vmand vm8, vm9  }
0x55: {  	v4 =	vld [tilespmem:$0x4C0];
	v3 =	vnsel vm0, $0x0, v3;
	_ =	sdelay $0x4  }
0x56: {  	[tilespmem:v3+s3+$0x0] =	vst.idx.msk vm0, v4  }
0x57: {  	v3 =	vld [tilespmem:$0x2D0];
	_ =	sdelay $0x4  }
0x58: {  	vm10 =	vge.s32 v3, v0;
	vm11 =	vlt.s32 v3, v1  }
0x59: {  	v3 =	vsub.s32 v3, v0;
	vm0 =	vmand vm10, vm11  }
0x5a: {  	v4 =	vld [tilespmem:$0x4D0];
	v3 =	vnsel vm0, $0x0, v3;
	_ =	sdelay $0x4  }
0x5b: {  	[tilespmem:v3+s3+$0x0] =	vst.idx.msk vm0, v4  }
0x5c: {  	v3 =	vld [tilespmem:$0x2E0];
	_ =	sdelay $0x4  }
0x5d: {  	vm12 =	vge.s32 v3, v0;
	vm13 =	vlt.s32 v3, v1  }
0x5e: {  	v3 =	vsub.s32 v3, v0;
	vm0 =	vmand vm12, vm13  }
0x5f: {  	v4 =	vld [tilespmem:$0x4E0];
	v3 =	vnsel vm0, $0x0, v3;
	_ =	sdelay $0x4  }
0x60: {  	[tilespmem:v3+s3+$0x0] =	vst.idx.msk vm0, v4  }
0x61: {  	v3 =	vld [tilespmem:$0x2F0];
	_ =	sdelay $0x4  }
0x62: {  	vm14 =	vge.s32 v3, v0;
	vm15 =	vlt.s32 v3, v1  }
0x63: {  	v3 =	vsub.s32 v3, v0;
	vm0 =	vmand vm14, vm15  }
0x64: {  	v4 =	vld [tilespmem:$0x4F0];
	v3 =	vnsel vm0, $0x0, v3;
	_ =	sdelay $0x4  }
0x65: {  	[tilespmem:v3+s3+$0x0] =	vst.idx.msk vm0, v4  }
0x66: {  	v3 =	vld [tilespmem:$0x300];
	_ =	sdelay $0x4  }
0x67: {  	vm4 =	vge.s32 v3, v0;
	vm5 =	vlt.s32 v3, v1  }
0x68: {  	v3 =	vsub.s32 v3, v0;
	vm0 =	vmand vm4, vm5  }
0x69: {  	v4 =	vld [tilespmem:$0x500];
	v3 =	vnsel vm0, $0x0, v3;
	_ =	sdelay $0x4  }
0x6a: {  	[tilespmem:v3+s3+$0x0] =	vst.idx.msk vm0, v4  }
0x6b: {  	v3 =	vld [tilespmem:$0x310];
	_ =	sdelay $0x4  }
0x6c: {  	vm6 =	vge.s32 v3, v0;
	vm7 =	vlt.s32 v3, v1  }
0x6d: {  	v3 =	vsub.s32 v3, v0;
	vm0 =	vmand vm6, vm7  }
0x6e: {  	v4 =	vld [tilespmem:$0x510];
	v3 =	vnsel vm0, $0x0, v3;
	_ =	sdelay $0x4  }
0x6f: {  	[tilespmem:v3+s3+$0x0] =	vst.idx.msk vm0, v4  }
0x70: {  	v3 =	vld [tilespmem:$0x320];
	_ =	sdelay $0x4  }
0x71: {  	vm8 =	vge.s32 v3, v0;
	vm9 =	vlt.s32 v3, v1  }
0x72: {  	v3 =	vsub.s32 v3, v0;
	vm0 =	vmand vm8, vm9  }
0x73: {  	v4 =	vld [tilespmem:$0x520];
	v3 =	vnsel vm0, $0x0, v3;
	_ =	sdelay $0x4  }
0x74: {  	[tilespmem:v3+s3+$0x0] =	vst.idx.msk vm0, v4  }
0x75: {  	v3 =	vld [tilespmem:$0x330];
	_ =	sdelay $0x4  }
0x76: {  	vm10 =	vge.s32 v3, v0;
	vm11 =	vlt.s32 v3, v1  }
0x77: {  	v3 =	vsub.s32 v3, v0;
	vm0 =	vmand vm10, vm11  }
0x78: {  	v4 =	vld [tilespmem:$0x530];
	v3 =	vnsel vm0, $0x0, v3;
	_ =	sdelay $0x4  }
0x79: {  	[tilespmem:v3+s3+$0x0] =	vst.idx.msk vm0, v4  }
0x7a: {  	v3 =	vld [tilespmem:$0x340];
	_ =	sdelay $0x4  }
0x7b: {  	vm12 =	vge.s32 v3, v0;
	vm13 =	vlt.s32 v3, v1  }
0x7c: {  	v3 =	vsub.s32 v3, v0;
	vm0 =	vmand vm12, vm13  }
0x7d: {  	v4 =	vld [tilespmem:$0x540];
	v3 =	vnsel vm0, $0x0, v3;
	_ =	sdelay $0x4  }
0x7e: {  	[tilespmem:v3+s3+$0x0] =	vst.idx.msk vm0, v4  }
0x7f: {  	v3 =	vld [tilespmem:$0x350];
	_ =	sdelay $0x4  }
0x80: {  	vm14 =	vge.s32 v3, v0;
	vm15 =	vlt.s32 v3, v1  }
0x81: {  	v3 =	vsub.s32 v3, v0;
	vm0 =	vmand vm14, vm15  }
0x82: {  	v4 =	vld [tilespmem:$0x550];
	v3 =	vnsel vm0, $0x0, v3;
	_ =	sdelay $0x4  }
0x83: {  	[tilespmem:v3+s3+$0x0] =	vst.idx.msk vm0, v4  }
0x84: {  	v3 =	vld [tilespmem:$0x360];
	_ =	sdelay $0x4  }
0x85: {  	vm4 =	vge.s32 v3, v0;
	vm5 =	vlt.s32 v3, v1  }
0x86: {  	v3 =	vsub.s32 v3, v0;
	vm0 =	vmand vm4, vm5  }
0x87: {  	v4 =	vld [tilespmem:$0x560];
	v3 =	vnsel vm0, $0x0, v3;
	_ =	sdelay $0x4  }
0x88: {  	[tilespmem:v3+s3+$0x0] =	vst.idx.msk vm0, v4  }
0x89: {  	v3 =	vld [tilespmem:$0x370];
	_ =	sdelay $0x4  }
0x8a: {  	vm6 =	vge.s32 v3, v0;
	vm7 =	vlt.s32 v3, v1  }
0x8b: {  	v3 =	vsub.s32 v3, v0;
	vm0 =	vmand vm6, vm7  }
0x8c: {  	v4 =	vld [tilespmem:$0x570];
	v3 =	vnsel vm0, $0x0, v3;
	_ =	sdelay $0x4  }
0x8d: {  	[tilespmem:v3+s3+$0x0] =	vst.idx.msk vm0, v4  }
0x8e: {  	v3 =	vld [tilespmem:$0x380];
	_ =	sdelay $0x4  }
0x8f: {  	vm8 =	vge.s32 v3, v0;
	vm9 =	vlt.s32 v3, v1  }
0x90: {  	v3 =	vsub.s32 v3, v0;
	vm0 =	vmand vm8, vm9  }
0x91: {  	v4 =	vld [tilespmem:$0x580];
	v3 =	vnsel vm0, $0x0, v3;
	_ =	sdelay $0x4  }
0x92: {  	[tilespmem:v3+s3+$0x0] =	vst.idx.msk vm0, v4  }
0x93: {  	v3 =	vld [tilespmem:$0x390];
	_ =	sdelay $0x4  }
0x94: {  	vm10 =	vge.s32 v3, v0;
	vm11 =	vlt.s32 v3, v1  }
0x95: {  	v3 =	vsub.s32 v3, v0;
	vm0 =	vmand vm10, vm11  }
0x96: {  	v4 =	vld [tilespmem:$0x590];
	v3 =	vnsel vm0, $0x0, v3;
	_ =	sdelay $0x4  }
0x97: {  	[tilespmem:v3+s3+$0x0] =	vst.idx.msk vm0, v4  }
0x98: {  	v3 =	vld [tilespmem:$0x3A0];
	_ =	sdelay $0x4  }
0x99: {  	vm12 =	vge.s32 v3, v0;
	vm13 =	vlt.s32 v3, v1  }
0x9a: {  	v3 =	vsub.s32 v3, v0;
	vm0 =	vmand vm12, vm13  }
0x9b: {  	v4 =	vld [tilespmem:$0x5A0];
	v3 =	vnsel vm0, $0x0, v3;
	_ =	sdelay $0x4  }
0x9c: {  	[tilespmem:v3+s3+$0x0] =	vst.idx.msk vm0, v4  }
0x9d: {  	v3 =	vld [tilespmem:$0x3B0];
	_ =	sdelay $0x4  }
0x9e: {  	vm14 =	vge.s32 v3, v0;
	vm15 =	vlt.s32 v3, v1  }
0x9f: {  	v3 =	vsub.s32 v3, v0;
	vm0 =	vmand vm14, vm15  }
0xa0: {  	v4 =	vld [tilespmem:$0x5B0];
	v3 =	vnsel vm0, $0x0, v3;
	_ =	sdelay $0x4  }
0xa1: {  	[tilespmem:v3+s3+$0x0] =	vst.idx.msk vm0, v4  }
0xa2: {  	v3 =	vld [tilespmem:$0x3C0];
	_ =	sdelay $0x4  }
0xa3: {  	vm4 =	vge.s32 v3, v0;
	vm5 =	vlt.s32 v3, v1  }
0xa4: {  	v3 =	vsub.s32 v3, v0;
	vm0 =	vmand vm4, vm5  }
0xa5: {  	v4 =	vld [tilespmem:$0x5C0];
	v3 =	vnsel vm0, $0x0, v3;
	_ =	sdelay $0x4  }
0xa6: {  	[tilespmem:v3+s3+$0x0] =	vst.idx.msk vm0, v4  }
0xa7: {  	v3 =	vld [tilespmem:$0x3D0];
	_ =	sdelay $0x4  }
0xa8: {  	vm6 =	vge.s32 v3, v0;
	vm7 =	vlt.s32 v3, v1  }
0xa9: {  	v3 =	vsub.s32 v3, v0;
	vm0 =	vmand vm6, vm7  }
0xaa: {  	v4 =	vld [tilespmem:$0x5D0];
	v3 =	vnsel vm0, $0x0, v3;
	_ =	sdelay $0x4  }
0xab: {  	[tilespmem:v3+s3+$0x0] =	vst.idx.msk vm0, v4  }
0xac: {  	v3 =	vld [tilespmem:$0x3E0];
	_ =	sdelay $0x4  }
0xad: {  	vm8 =	vge.s32 v3, v0;
	vm9 =	vlt.s32 v3, v1  }
0xae: {  	v3 =	vsub.s32 v3, v0;
	vm0 =	vmand vm8, vm9  }
0xaf: {  	v4 =	vld [tilespmem:$0x5E0];
	v3 =	vnsel vm0, $0x0, v3;
	_ =	sdelay $0x4  }
0xb0: {  	[tilespmem:v3+s3+$0x0] =	vst.idx.msk vm0, v4  }
0xb1: {  	v3 =	vld [tilespmem:$0x3F0];
	_ =	sdelay $0x4  }
0xb2: {  	vm10 =	vge.s32 v3, v0;
	vm11 =	vlt.s32 v3, v1  }
0xb3: {  	v3 =	vsub.s32 v3, v0;
	vm0 =	vmand vm10, vm11  }
0xb4: {  	v4 =	vld [tilespmem:$0x5F0];
	v3 =	vnsel vm0, $0x0, v3;
	_ =	sdelay $0x4  }
0xb5: {  	[tilespmem:v3+s3+$0x0] =	vst.idx.msk vm0, v4  }
0xb6: {  	v3 =	vld [tilespmem:$0x400];
	_ =	sdelay $0x4  }
0xb7: {  	vm12 =	vge.s32 v3, v0;
	vm13 =	vlt.s32 v3, v1  }
0xb8: {  	v3 =	vsub.s32 v3, v0;
	vm0 =	vmand vm12, vm13  }
0xb9: {  	v4 =	vld [tilespmem:$0x600];
	v3 =	vnsel vm0, $0x0, v3;
	_ =	sdelay $0x4  }
0xba: {  	[tilespmem:v3+s3+$0x0] =	vst.idx.msk vm0, v4  }
0xbb: {  	v3 =	vld [tilespmem:$0x410];
	_ =	sdelay $0x4  }
0xbc: {  	vm14 =	vge.s32 v3, v0;
	vm15 =	vlt.s32 v3, v1  }
0xbd: {  	v3 =	vsub.s32 v3, v0;
	vm0 =	vmand vm14, vm15  }
0xbe: {  	v4 =	vld [tilespmem:$0x610];
	v3 =	vnsel vm0, $0x0, v3;
	_ =	sdelay $0x4  }
0xbf: {  	[tilespmem:v3+s3+$0x0] =	vst.idx.msk vm0, v4  }
0xc0: {  	v3 =	vld [tilespmem:$0x420];
	_ =	sdelay $0x4  }
0xc1: {  	vm4 =	vge.s32 v3, v0;
	vm5 =	vlt.s32 v3, v1  }
0xc2: {  	v3 =	vsub.s32 v3, v0;
	vm0 =	vmand vm4, vm5  }
0xc3: {  	v4 =	vld [tilespmem:$0x620];
	v3 =	vnsel vm0, $0x0, v3;
	_ =	sdelay $0x4  }
0xc4: {  	[tilespmem:v3+s3+$0x0] =	vst.idx.msk vm0, v4  }
0xc5: {  	v3 =	vld [tilespmem:$0x430];
	_ =	sdelay $0x4  }
0xc6: {  	vm6 =	vge.s32 v3, v0;
	vm7 =	vlt.s32 v3, v1  }
0xc7: {  	v3 =	vsub.s32 v3, v0;
	vm0 =	vmand vm6, vm7  }
0xc8: {  	v4 =	vld [tilespmem:$0x630];
	v3 =	vnsel vm0, $0x0, v3;
	_ =	sdelay $0x4  }
0xc9: {  	[tilespmem:v3+s3+$0x0] =	vst.idx.msk vm0, v4  }
0xca: {  	v3 =	vld [tilespmem:$0x440];
	_ =	sdelay $0x4  }
0xcb: {  	vm8 =	vge.s32 v3, v0;
	vm9 =	vlt.s32 v3, v1  }
0xcc: {  	v3 =	vsub.s32 v3, v0;
	vm0 =	vmand vm8, vm9  }
0xcd: {  	v4 =	vld [tilespmem:$0x640];
	v3 =	vnsel vm0, $0x0, v3;
	_ =	sdelay $0x4  }
0xce: {  	[tilespmem:v3+s3+$0x0] =	vst.idx.msk vm0, v4  }
0xcf: {  	v3 =	vld [tilespmem:$0x450];
	_ =	sdelay $0x4  }
0xd0: {  	vm10 =	vge.s32 v3, v0;
	vm11 =	vlt.s32 v3, v1  }
0xd1: {  	v3 =	vsub.s32 v3, v0;
	vm0 =	vmand vm10, vm11  }
0xd2: {  	v4 =	vld [tilespmem:$0x650];
	v3 =	vnsel vm0, $0x0, v3;
	_ =	sdelay $0x4  }
0xd3: {  	[tilespmem:v3+s3+$0x0] =	vst.idx.msk vm0, v4  }
0xd4: {  	v3 =	vld [tilespmem:$0x460];
	_ =	sdelay $0x4  }
0xd5: {  	vm12 =	vge.s32 v3, v0;
	vm13 =	vlt.s32 v3, v1  }
0xd6: {  	v3 =	vsub.s32 v3, v0;
	vm0 =	vmand vm12, vm13  }
0xd7: {  	v4 =	vld [tilespmem:$0x660];
	v3 =	vnsel vm0, $0x0, v3;
	_ =	sdelay $0x4  }
0xd8: {  	[tilespmem:v3+s3+$0x0] =	vst.idx.msk vm0, v4  }
0xd9: {  	v3 =	vld [tilespmem:$0x470];
	_ =	sdelay $0x4  }
0xda: {  	vm14 =	vge.s32 v3, v0;
	vm15 =	vlt.s32 v3, v1  }
0xdb: {  	v3 =	vsub.s32 v3, v0;
	vm0 =	vmand vm14, vm15  }
0xdc: {  	v4 =	vld [tilespmem:$0x670];
	v3 =	vnsel vm0, $0x0, v3;
	_ =	sdelay $0x4  }
0xdd: {  	s11 =	simm.s32 @p0 $0x0;
	[tilespmem:v3+s3+$0x0] =	vst.idx.msk vm0, v4  }
0xde: {  	[hbm4b:s5+s11] =	stream.linear.scatter @p0 [tilespmem:s11], [sflag:$0x1], $0x270, $0x38;
	[tilespmem:$0x680] =	vst v63  }
0xdf: {  	s11 =	simm.s32 @p0 $0x1  }
0xe0: {  	_ =	swait.ge @p0 [sflag:s11], $0x270  }
0xe1: {  	s7 =	sadd.s32 $0xFFFFFFFF, s7;
	[sflag:s11] =	ssyncset.done @p0 $0x0  }
0xe2: {  	p1 =	sne.s32 s7, $0x0;
	[sflag:s11] =	ssyncadd.s32 @p0 $0xFFFFFD90;
	s11 =	simm.s32 @!p0 $0x0  }
0xe3: {  	[hbm4b:s6+s11] =	stream.linear.scatter @!p0 [tilespmem:s11], [sflag:$0x1], $0x278, $0x38;
	[tilespmem:$0x680] =	vst v63  }
.Ltmp0:
0xe4: {  	_ = 	snop;
	(pc) =	sbr.rel @p1 .LBB2_1-.Ltmp0, $4  }
0xe5: {  	s11 =	simm.s32 @!p0 $0x1  }
0xe6: {  	_ =	swait.ge @!p0 [sflag:s11], $0x278  }
0xe7: {  	[sflag:s11] =	ssyncset.done @!p0 $0x0  }
0xe8: {  	[sflag:s11] =	ssyncadd.s32 @!p0 $0xFFFFFD88  }
0xe9: {  	_ =	sfence.sel $0x180000  }
0xea: {  	[bflag:$0x0] =	sbarrier.arrive $0xFFFF  }
0xeb: {  	p0 =	sne.s32 s0, $0x0;
	_ =	strace $0x9000004A  }
0xec: {  	s0 =	sadd.s32 @!p0 $0x100000, s2;
	[bflag:$0x2] =	sbarrier.arrive $0xFFFF  }
0xed: {  	[sflag:s0] =	ssyncadd.tile.s32 @!p0 $0x1;
	_ =	shalt  }
.Lfunc_end2:
_tile_overlayer_lowered:
.L_overlay_start_2:
0xee: {  	(tag) =	ssettag $0x2  }
0xef: {  	s0 =	rddreg [dreg:$0x0];
	s2 =	stileid.u32  }
0xf0: {  	s1 =	rddreg [dreg:$0x1];
	p0 =	sne.s32 s2, $0x0  }
0xf1: {  	s3 =	rddreg [dreg:$0x2];
	[bflag:$0x3] =	sbarrier.arrive $0xFFFF;
	s2 =	simm.s32 @!p0 $0x1C01  }
0xf2: {  	[timem:s3], [sflag:s2] =	dma.local @!p0 [hbm:s0], s1  }
0xf3: {  	s0 =	simm.s32 @!p0 $0x1  }
0xf4: {  	_ =	swait.ge @!p0 [sflag:s0], s1  }
0xf5: {  	s1 =	ssub.s32 @!p0 $0x0, s1;
	[sflag:s0] =	ssyncset.done @!p0 $0x0  }
0xf6: {  	[sflag:s0] =	ssyncadd.s32 @!p0 s1  }
0xf7: {  	[bflag:$0x3] =	sbarrier.arrive $0xFFFF  }
0xf8: {  	_ =	shalt  }

</sc_bundles>
